<compile_context>
chip_gen: v7x
topology: tpu7x:2x2x1
jax: 0.10.2.dev20260603
libtpu: 0.0.44.dev20260713+nightly
codegen_flags: <defaults>
</compile_context>

<pallas_src>
import functools

import jax
import jax.numpy as jnp
from jax import lax
from jax.experimental import pallas as pl
from jax.experimental.pallas import tpu as pltpu
from jax.experimental.pallas import tpu_sc as plsc

_D = 32
_CH = 1024


def _emb_call(total, n_ch, b_per_w):
    mesh = plsc.VectorSubcoreMesh(core_axis_name="c", subcore_axis_name="s")
    info = plsc.get_sparse_core_info()
    nc = info.num_cores

    @functools.partial(
        pl.kernel,
        mesh=mesh,
        out_type=jax.ShapeDtypeStruct((total, _D), jnp.float32),
        compiler_params=pltpu.CompilerParams(use_tc_tiling_on_sc=False),
        scratch_types=[
            pltpu.VMEM((n_ch, _CH), jnp.int32),
            pltpu.VMEM((2, _CH, _D), jnp.float32),
            pltpu.SemaphoreType.DMA,
            pltpu.SemaphoreType.DMA,
            pltpu.SemaphoreType.DMA,
            pltpu.SemaphoreType.DMA,
        ],
    )
    def emb(idx_hbm, tbl_hbm, out_hbm, idx_v, rows_v, g0, g1, s0, s1):
        wid = lax.axis_index("s") * nc + lax.axis_index("c")
        base = wid * b_per_w
        pltpu.sync_copy(idx_hbm.at[wid], idx_v)

        gsem = (g0, g1)
        ssem = (s0, s1)

        def fire_gather(j, slot):
            return pltpu.async_copy(
                tbl_hbm.at[idx_v.at[j]], rows_v.at[slot], gsem[slot])

        def fire_store(j, slot):
            return pltpu.async_copy(
                rows_v.at[slot], out_hbm.at[pl.ds(base + j * _CH, _CH)],
                ssem[slot])

        gh = [None, None]
        sh = [None, None]
        gh[0] = fire_gather(0, 0)
        for j in range(n_ch):
            slot = j % 2
            other = 1 - slot
            if j + 1 < n_ch:
                if sh[other] is not None:
                    sh[other].wait()
                gh[other] = fire_gather(j + 1, other)
            gh[slot].wait()
            sh[slot] = fire_store(j, slot)
        for h in sh:
            if h is not None:
                h.wait()

    return emb


def kernel(x, weight):
    b, cols = x.shape
    total = b * cols
    info = plsc.get_sparse_core_info()
    nw = info.num_cores * info.num_subcores
    b_per_w = total // nw
    n_ch = b_per_w // _CH
    assert b_per_w * nw == total and n_ch * _CH == b_per_w

    idx = x.reshape(nw, n_ch, _CH).astype(jnp.int32)
    out = _emb_call(total, n_ch, b_per_w)(idx, weight)
    return out.reshape(b, cols, _D)

# --- scband reference (transcript-rebuilt; emitter-appended) ---
"""Pipeline reference for scband-embedding-layer-24910810317587 (READ-ONLY COPY).

The authoritative reference and input builder live on the scoring server;
editing this copy changes nothing except your own understanding.
"""

import jax, jax.numpy as jnp
import numpy as np

NUM_EMBEDDINGS = 1000000
EMBEDDING_DIM = 32

def setup_inputs(seed: int = 0) -> dict:
    key = jax.random.key(seed)
    k_idx, k_w = jax.random.split(key)
    x = jax.random.randint(k_idx, (16384, 26), 0, NUM_EMBEDDINGS, dtype=jnp.int64 if jax.config.jax_enable_x64 else jnp.int32)
    # nn.Embedding default init: N(0, 1)
    weight = jax.random.normal(k_w, (NUM_EMBEDDINGS, EMBEDDING_DIM), dtype=jnp.float32)
    return {"x": x, "weight": weight}

def reference(x, weight):
    # Embedding lookup: gather rows of the table by index
    return jnp.take(weight, x, axis=0)

if __name__ == "__main__":
    import jax
    _d = setup_inputs()
    print(jax.jit(kernel)(*tuple(_d.values())))

</pallas_src>

<mosaic_0001>
#map = affine_map<(d0, d1) -> (0, 0, 0)>
#map1 = affine_map<(d0, d1) -> (0, 0)>
module attributes {stable_mosaic.version = 14 : i64} {
  func.func @emb(%arg0: i32, %arg1: i32, %arg2: memref<32x13x1024xi32, #tpu.memory_space<hbm>>, %arg3: memref<1000000x32xf32, #tpu.memory_space<hbm>>, %arg4: memref<425984x32xf32, #tpu.memory_space<hbm>>, %arg5: memref<13x1024xi32, #tpu.memory_space<vmem>>, %arg6: memref<2x1024x32xf32, #tpu.memory_space<vmem>>, %arg7: memref<!tpu.dma_semaphore, #tpu.memory_space<semaphore_mem>>, %arg8: memref<!tpu.dma_semaphore, #tpu.memory_space<semaphore_mem>>, %arg9: memref<!tpu.dma_semaphore, #tpu.memory_space<semaphore_mem>>, %arg10: memref<!tpu.dma_semaphore, #tpu.memory_space<semaphore_mem>>) attributes {dimension_semantics = [#tpu.dimension_semantics<core_parallel>, #tpu.dimension_semantics<subcore_parallel>], iteration_bounds = array<i64: 2, 16>, scalar_prefetch = 0 : i64, scratch_operands = 6 : i64, tpu.core_type = #tpu.core_type<sc_vector_subcore>, window_params = [{transform_indices = #map}, {transform_indices = #map1}, {transform_indices = #map1}]} {
    %mul3A = arith.constant 2 : i32
    %mul3A_0 = arith.muli %arg1, %mul3A : i32
    %add3A = arith.addi %mul3A_0, %arg0 : i32
    %mul3A_1 = arith.constant 13312 : i32
    %mul3A_2 = arith.muli %add3A, %mul3A_1 : i32
    "tpu.region"() ({
      %run_scoped3A = tpu.sem_alloc : memref<!tpu.dma_semaphore, #tpu.memory_space<semaphore_mem>>
      %dma_start3A_677 = arith.constant 0 : i32
      %dma_start3A_678 = arith.constant 0 : i32
      %dma_start3A_679 = tpu.memref_slice %arg2[%add3A, %dma_start3A_677, %dma_start3A_678] : memref<32x13x1024xi32, #tpu.memory_space<hbm>> -> memref<1x13x1024xi32, #tpu.memory_space<hbm>>
      %dma_start3A_680 = tpu.memref_squeeze %dma_start3A_679 : memref<1x13x1024xi32, #tpu.memory_space<hbm>> -> memref<13x1024xi32, #tpu.memory_space<hbm>>
      %dma_start3A_681 = arith.constant 0 : i32
      %dma_start3A_682 = arith.constant 0 : i32
      %dma_start3A_683 = tpu.memref_slice %arg2[%add3A, %dma_start3A_681, %dma_start3A_682] : memref<32x13x1024xi32, #tpu.memory_space<hbm>> -> memref<1x13x1024xi32, #tpu.memory_space<hbm>>
      %dma_start3A_684 = tpu.memref_squeeze %dma_start3A_683 : memref<1x13x1024xi32, #tpu.memory_space<hbm>> -> memref<13x1024xi32, #tpu.memory_space<hbm>>
      tpu.enqueue_dma source(%dma_start3A_684 : memref<13x1024xi32, #tpu.memory_space<hbm>>) target(%arg5 : memref<13x1024xi32, #tpu.memory_space<vmem>>) target_semaphore(%run_scoped3A : memref<!tpu.dma_semaphore, #tpu.memory_space<semaphore_mem>>)
      %dma_wait3A_685 = arith.constant 0 : i32
      %dma_wait3A_686 = arith.constant 0 : i32
      %dma_wait3A_687 = tpu.memref_slice %arg2[%add3A, %dma_wait3A_685, %dma_wait3A_686] : memref<32x13x1024xi32, #tpu.memory_space<hbm>> -> memref<1x13x1024xi32, #tpu.memory_space<hbm>>
      %dma_wait3A_688 = tpu.memref_squeeze %dma_wait3A_687 : memref<1x13x1024xi32, #tpu.memory_space<hbm>> -> memref<13x1024xi32, #tpu.memory_space<hbm>>
      %dma_wait3A_689 = arith.constant 0 : i32
      %dma_wait3A_690 = arith.constant 0 : i32
      %dma_wait3A_691 = tpu.memref_slice %arg2[%add3A, %dma_wait3A_689, %dma_wait3A_690] : memref<32x13x1024xi32, #tpu.memory_space<hbm>> -> memref<1x13x1024xi32, #tpu.memory_space<hbm>>
      %dma_wait3A_692 = tpu.memref_squeeze %dma_wait3A_691 : memref<1x13x1024xi32, #tpu.memory_space<hbm>> -> memref<13x1024xi32, #tpu.memory_space<hbm>>
      tpu.wait_dma2 semaphore(%run_scoped3A : memref<!tpu.dma_semaphore, #tpu.memory_space<semaphore_mem>>) src(%dma_wait3A_692 : memref<13x1024xi32, #tpu.memory_space<hbm>>) dst(%arg5 : memref<13x1024xi32, #tpu.memory_space<vmem>>)
      tpu.yield
    }) : () -> ()
    %dma_start3A = arith.constant 0 : i32
    %dma_start3A_3 = arith.constant 0 : i32
    %dma_start3A_4 = arith.constant 0 : i32
    %dma_start3A_5 = arith.constant 0 : i32
    %dma_start3A_6 = tpu.memref_slice %arg6[%dma_start3A_3, %dma_start3A_4, %dma_start3A_5] : memref<2x1024x32xf32, #tpu.memory_space<vmem>> -> memref<1x1024x32xf32, #tpu.memory_space<vmem>>
    %dma_start3A_7 = tpu.memref_squeeze %dma_start3A_6 : memref<1x1024x32xf32, #tpu.memory_space<vmem>> -> memref<1024x32xf32, #tpu.memory_space<vmem>>
    %dma_start3A_8 = arith.constant 0 : i32
    %dma_start3A_9 = tpu.memref_slice %arg5[%dma_start3A, %dma_start3A_8] : memref<13x1024xi32, #tpu.memory_space<vmem>> -> memref<1x1024xi32, #tpu.memory_space<vmem>>
    %dma_start3A_10 = tpu.memref_squeeze %dma_start3A_9 : memref<1x1024xi32, #tpu.memory_space<vmem>> -> memref<1024xi32, #tpu.memory_space<vmem>>
    %dma_start3A_11 = arith.constant 0 : i32
    %dma_start3A_12 = arith.constant 0 : i32
    %dma_start3A_13 = tpu.memref_slice %arg3[%dma_start3A_11, %dma_start3A_12] : memref<1000000x32xf32, #tpu.memory_space<hbm>> -> memref<1000000x32xf32, #tpu.memory_space<hbm>>
    tpu.enqueue_indirect_dma source(%dma_start3A_13 : memref<1000000x32xf32, #tpu.memory_space<hbm>>) target(%dma_start3A_7 : memref<1024x32xf32, #tpu.memory_space<vmem>>) offsets(%dma_start3A_10 : memref<1024xi32, #tpu.memory_space<vmem>>) semaphore(%arg7 : memref<!tpu.dma_semaphore, #tpu.memory_space<semaphore_mem>>)
    %dma_start3A_14 = arith.constant 1 : i32
    %dma_start3A_15 = arith.constant 1 : i32
    %dma_start3A_16 = arith.constant 0 : i32
    %dma_start3A_17 = arith.constant 0 : i32
    %dma_start3A_18 = tpu.memref_slice %arg6[%dma_start3A_15, %dma_start3A_16, %dma_start3A_17] : memref<2x1024x32xf32, #tpu.memory_space<vmem>> -> memref<1x1024x32xf32, #tpu.memory_space<vmem>>
    %dma_start3A_19 = tpu.memref_squeeze %dma_start3A_18 : memref<1x1024x32xf32, #tpu.memory_space<vmem>> -> memref<1024x32xf32, #tpu.memory_space<vmem>>
    %dma_start3A_20 = arith.constant 0 : i32
    %dma_start3A_21 = tpu.memref_slice %arg5[%dma_start3A_14, %dma_start3A_20] : memref<13x1024xi32, #tpu.memory_space<vmem>> -> memref<1x1024xi32, #tpu.memory_space<vmem>>
    %dma_start3A_22 = tpu.memref_squeeze %dma_start3A_21 : memref<1x1024xi32, #tpu.memory_space<vmem>> -> memref<1024xi32, #tpu.memory_space<vmem>>
    %dma_start3A_23 = arith.constant 0 : i32
    %dma_start3A_24 = arith.constant 0 : i32
    %dma_start3A_25 = tpu.memref_slice %arg3[%dma_start3A_23, %dma_start3A_24] : memref<1000000x32xf32, #tpu.memory_space<hbm>> -> memref<1000000x32xf32, #tpu.memory_space<hbm>>
    tpu.enqueue_indirect_dma source(%dma_start3A_25 : memref<1000000x32xf32, #tpu.memory_space<hbm>>) target(%dma_start3A_19 : memref<1024x32xf32, #tpu.memory_space<vmem>>) offsets(%dma_start3A_22 : memref<1024xi32, #tpu.memory_space<vmem>>) semaphore(%arg8 : memref<!tpu.dma_semaphore, #tpu.memory_space<semaphore_mem>>)
    %dma_wait3A = arith.constant 0 : i32
    %dma_wait3A_26 = arith.constant 0 : i32
    %dma_wait3A_27 = arith.constant 0 : i32
    %dma_wait3A_28 = arith.constant 0 : i32
    %dma_wait3A_29 = tpu.memref_slice %arg6[%dma_wait3A_26, %dma_wait3A_27, %dma_wait3A_28] : memref<2x1024x32xf32, #tpu.memory_space<vmem>> -> memref<1x1024x32xf32, #tpu.memory_space<vmem>>
    %dma_wait3A_30 = tpu.memref_squeeze %dma_wait3A_29 : memref<1x1024x32xf32, #tpu.memory_space<vmem>> -> memref<1024x32xf32, #tpu.memory_space<vmem>>
    %dma_wait3A_31 = arith.constant 0 : i32
    %dma_wait3A_32 = tpu.memref_slice %arg5[%dma_wait3A, %dma_wait3A_31] : memref<13x1024xi32, #tpu.memory_space<vmem>> -> memref<1x1024xi32, #tpu.memory_space<vmem>>
    %dma_wait3A_33 = tpu.memref_squeeze %dma_wait3A_32 : memref<1x1024xi32, #tpu.memory_space<vmem>> -> memref<1024xi32, #tpu.memory_space<vmem>>
    %dma_wait3A_34 = arith.constant 0 : i32
    %dma_wait3A_35 = arith.constant 0 : i32
    %dma_wait3A_36 = tpu.memref_slice %arg3[%dma_wait3A_34, %dma_wait3A_35] : memref<1000000x32xf32, #tpu.memory_space<hbm>> -> memref<1000000x32xf32, #tpu.memory_space<hbm>>
    tpu.wait_indirect_dma semaphore(%arg7 : memref<!tpu.dma_semaphore, #tpu.memory_space<semaphore_mem>>) src(%dma_wait3A_36 : memref<1000000x32xf32, #tpu.memory_space<hbm>>) dst(%dma_wait3A_30 : memref<1024x32xf32, #tpu.memory_space<vmem>>)
    %add3A_37 = arith.constant 0 : i32
    %add3A_38 = arith.addi %mul3A_2, %add3A_37 : i32
    %dma_start3A_39 = arith.constant 0 : i32
    %dma_start3A_40 = arith.constant 0 : i32
    %dma_start3A_41 = arith.constant 0 : i32
    %dma_start3A_42 = tpu.memref_slice %arg6[%dma_start3A_39, %dma_start3A_40, %dma_start3A_41] : memref<2x1024x32xf32, #tpu.memory_space<vmem>> -> memref<1x1024x32xf32, #tpu.memory_space<vmem>>
    %dma_start3A_43 = tpu.memref_squeeze %dma_start3A_42 : memref<1x1024x32xf32, #tpu.memory_space<vmem>> -> memref<1024x32xf32, #tpu.memory_space<vmem>>
    %dma_start3A_44 = arith.constant 0 : i32
    %dma_start3A_45 = tpu.memref_slice %arg4[%add3A_38, %dma_start3A_44] : memref<425984x32xf32, #tpu.memory_space<hbm>> -> memref<1024x32xf32, #tpu.memory_space<hbm>>
    %dma_start3A_46 = arith.constant 0 : i32
    %dma_start3A_47 = tpu.memref_slice %arg4[%add3A_38, %dma_start3A_46] : memref<425984x32xf32, #tpu.memory_space<hbm>> -> memref<1024x32xf32, #tpu.memory_space<hbm>>
    %dma_start3A_48 = arith.constant 0 : i32
    %dma_start3A_49 = arith.constant 0 : i32
    %dma_start3A_50 = tpu.memref_slice %arg6[%dma_start3A_39, %dma_start3A_48, %dma_start3A_49] : memref<2x1024x32xf32, #tpu.memory_space<vmem>> -> memref<1x1024x32xf32, #tpu.memory_space<vmem>>
    %dma_start3A_51 = tpu.memref_squeeze %dma_start3A_50 : memref<1x1024x32xf32, #tpu.memory_space<vmem>> -> memref<1024x32xf32, #tpu.memory_space<vmem>>
    tpu.enqueue_dma source(%dma_start3A_51 : memref<1024x32xf32, #tpu.memory_space<vmem>>) target(%dma_start3A_47 : memref<1024x32xf32, #tpu.memory_space<hbm>>) target_semaphore(%arg9 : memref<!tpu.dma_semaphore, #tpu.memory_space<semaphore_mem>>)
    %dma_wait3A_52 = arith.constant 0 : i32
    %dma_wait3A_53 = arith.constant 0 : i32
    %dma_wait3A_54 = arith.constant 0 : i32
    %dma_wait3A_55 = tpu.memref_slice %arg6[%dma_wait3A_52, %dma_wait3A_53, %dma_wait3A_54] : memref<2x1024x32xf32, #tpu.memory_space<vmem>> -> memref<1x1024x32xf32, #tpu.memory_space<vmem>>
    %dma_wait3A_56 = tpu.memref_squeeze %dma_wait3A_55 : memref<1x1024x32xf32, #tpu.memory_space<vmem>> -> memref<1024x32xf32, #tpu.memory_space<vmem>>
    %dma_wait3A_57 = arith.constant 0 : i32
    %dma_wait3A_58 = tpu.memref_slice %arg4[%add3A_38, %dma_wait3A_57] : memref<425984x32xf32, #tpu.memory_space<hbm>> -> memref<1024x32xf32, #tpu.memory_space<hbm>>
    %dma_wait3A_59 = arith.constant 0 : i32
    %dma_wait3A_60 = tpu.memref_slice %arg4[%add3A_38, %dma_wait3A_59] : memref<425984x32xf32, #tpu.memory_space<hbm>> -> memref<1024x32xf32, #tpu.memory_space<hbm>>
    %dma_wait3A_61 = arith.constant 0 : i32
    %dma_wait3A_62 = arith.constant 0 : i32
    %dma_wait3A_63 = tpu.memref_slice %arg6[%dma_wait3A_52, %dma_wait3A_61, %dma_wait3A_62] : memref<2x1024x32xf32, #tpu.memory_space<vmem>> -> memref<1x1024x32xf32, #tpu.memory_space<vmem>>
    %dma_wait3A_64 = tpu.memref_squeeze %dma_wait3A_63 : memref<1x1024x32xf32, #tpu.memory_space<vmem>> -> memref<1024x32xf32, #tpu.memory_space<vmem>>
    tpu.wait_dma2 semaphore(%arg9 : memref<!tpu.dma_semaphore, #tpu.memory_space<semaphore_mem>>) src(%dma_wait3A_64 : memref<1024x32xf32, #tpu.memory_space<vmem>>) dst(%dma_wait3A_60 : memref<1024x32xf32, #tpu.memory_space<hbm>>)
    %dma_start3A_65 = arith.constant 2 : i32
    %dma_start3A_66 = arith.constant 0 : i32
    %dma_start3A_67 = arith.constant 0 : i32
    %dma_start3A_68 = arith.constant 0 : i32
    %dma_start3A_69 = tpu.memref_slice %arg6[%dma_start3A_66, %dma_start3A_67, %dma_start3A_68] : memref<2x1024x32xf32, #tpu.memory_space<vmem>> -> memref<1x1024x32xf32, #tpu.memory_space<vmem>>
    %dma_start3A_70 = tpu.memref_squeeze %dma_start3A_69 : memref<1x1024x32xf32, #tpu.memory_space<vmem>> -> memref<1024x32xf32, #tpu.memory_space<vmem>>
    %dma_start3A_71 = arith.constant 0 : i32
    %dma_start3A_72 = tpu.memref_slice %arg5[%dma_start3A_65, %dma_start3A_71] : memref<13x1024xi32, #tpu.memory_space<vmem>> -> memref<1x1024xi32, #tpu.memory_space<vmem>>
    %dma_start3A_73 = tpu.memref_squeeze %dma_start3A_72 : memref<1x1024xi32, #tpu.memory_space<vmem>> -> memref<1024xi32, #tpu.memory_space<vmem>>
    %dma_start3A_74 = arith.constant 0 : i32
    %dma_start3A_75 = arith.constant 0 : i32
    %dma_start3A_76 = tpu.memref_slice %arg3[%dma_start3A_74, %dma_start3A_75] : memref<1000000x32xf32, #tpu.memory_space<hbm>> -> memref<1000000x32xf32, #tpu.memory_space<hbm>>
    tpu.enqueue_indirect_dma source(%dma_start3A_76 : memref<1000000x32xf32, #tpu.memory_space<hbm>>) target(%dma_start3A_70 : memref<1024x32xf32, #tpu.memory_space<vmem>>) offsets(%dma_start3A_73 : memref<1024xi32, #tpu.memory_space<vmem>>) semaphore(%arg7 : memref<!tpu.dma_semaphore, #tpu.memory_space<semaphore_mem>>)
    %dma_wait3A_77 = arith.constant 1 : i32
    %dma_wait3A_78 = arith.constant 1 : i32
    %dma_wait3A_79 = arith.constant 0 : i32
    %dma_wait3A_80 = arith.constant 0 : i32
    %dma_wait3A_81 = tpu.memref_slice %arg6[%dma_wait3A_78, %dma_wait3A_79, %dma_wait3A_80] : memref<2x1024x32xf32, #tpu.memory_space<vmem>> -> memref<1x1024x32xf32, #tpu.memory_space<vmem>>
    %dma_wait3A_82 = tpu.memref_squeeze %dma_wait3A_81 : memref<1x1024x32xf32, #tpu.memory_space<vmem>> -> memref<1024x32xf32, #tpu.memory_space<vmem>>
    %dma_wait3A_83 = arith.constant 0 : i32
    %dma_wait3A_84 = tpu.memref_slice %arg5[%dma_wait3A_77, %dma_wait3A_83] : memref<13x1024xi32, #tpu.memory_space<vmem>> -> memref<1x1024xi32, #tpu.memory_space<vmem>>
    %dma_wait3A_85 = tpu.memref_squeeze %dma_wait3A_84 : memref<1x1024xi32, #tpu.memory_space<vmem>> -> memref<1024xi32, #tpu.memory_space<vmem>>
    %dma_wait3A_86 = arith.constant 0 : i32
    %dma_wait3A_87 = arith.constant 0 : i32
    %dma_wait3A_88 = tpu.memref_slice %arg3[%dma_wait3A_86, %dma_wait3A_87] : memref<1000000x32xf32, #tpu.memory_space<hbm>> -> memref<1000000x32xf32, #tpu.memory_space<hbm>>
    tpu.wait_indirect_dma semaphore(%arg8 : memref<!tpu.dma_semaphore, #tpu.memory_space<semaphore_mem>>) src(%dma_wait3A_88 : memref<1000000x32xf32, #tpu.memory_space<hbm>>) dst(%dma_wait3A_82 : memref<1024x32xf32, #tpu.memory_space<vmem>>)
    %add3A_89 = arith.constant 1024 : i32
    %add3A_90 = arith.addi %mul3A_2, %add3A_89 : i32
    %dma_start3A_91 = arith.constant 1 : i32
    %dma_start3A_92 = arith.constant 0 : i32
    %dma_start3A_93 = arith.constant 0 : i32
    %dma_start3A_94 = tpu.memref_slice %arg6[%dma_start3A_91, %dma_start3A_92, %dma_start3A_93] : memref<2x1024x32xf32, #tpu.memory_space<vmem>> -> memref<1x1024x32xf32, #tpu.memory_space<vmem>>
    %dma_start3A_95 = tpu.memref_squeeze %dma_start3A_94 : memref<1x1024x32xf32, #tpu.memory_space<vmem>> -> memref<1024x32xf32, #tpu.memory_space<vmem>>
    %dma_start3A_96 = arith.constant 0 : i32
    %dma_start3A_97 = tpu.memref_slice %arg4[%add3A_90, %dma_start3A_96] : memref<425984x32xf32, #tpu.memory_space<hbm>> -> memref<1024x32xf32, #tpu.memory_space<hbm>>
    %dma_start3A_98 = arith.constant 0 : i32
    %dma_start3A_99 = tpu.memref_slice %arg4[%add3A_90, %dma_start3A_98] : memref<425984x32xf32, #tpu.memory_space<hbm>> -> memref<1024x32xf32, #tpu.memory_space<hbm>>
    %dma_start3A_100 = arith.constant 0 : i32
    %dma_start3A_101 = arith.constant 0 : i32
    %dma_start3A_102 = tpu.memref_slice %arg6[%dma_start3A_91, %dma_start3A_100, %dma_start3A_101] : memref<2x1024x32xf32, #tpu.memory_space<vmem>> -> memref<1x1024x32xf32, #tpu.memory_space<vmem>>
    %dma_start3A_103 = tpu.memref_squeeze %dma_start3A_102 : memref<1x1024x32xf32, #tpu.memory_space<vmem>> -> memref<1024x32xf32, #tpu.memory_space<vmem>>
    tpu.enqueue_dma source(%dma_start3A_103 : memref<1024x32xf32, #tpu.memory_space<vmem>>) target(%dma_start3A_99 : memref<1024x32xf32, #tpu.memory_space<hbm>>) target_semaphore(%arg10 : memref<!tpu.dma_semaphore, #tpu.memory_space<semaphore_mem>>)
    %dma_wait3A_104 = arith.constant 1 : i32
    %dma_wait3A_105 = arith.constant 0 : i32
    %dma_wait3A_106 = arith.constant 0 : i32
    %dma_wait3A_107 = tpu.memref_slice %arg6[%dma_wait3A_104, %dma_wait3A_105, %dma_wait3A_106] : memref<2x1024x32xf32, #tpu.memory_space<vmem>> -> memref<1x1024x32xf32, #tpu.memory_space<vmem>>
    %dma_wait3A_108 = tpu.memref_squeeze %dma_wait3A_107 : memref<1x1024x32xf32, #tpu.memory_space<vmem>> -> memref<1024x32xf32, #tpu.memory_space<vmem>>
    %dma_wait3A_109 = arith.constant 0 : i32
    %dma_wait3A_110 = tpu.memref_slice %arg4[%add3A_90, %dma_wait3A_109] : memref<425984x32xf32, #tpu.memory_space<hbm>> -> memref<1024x32xf32, #tpu.memory_space<hbm>>
    %dma_wait3A_111 = arith.constant 0 : i32
    %dma_wait3A_112 = tpu.memref_slice %arg4[%add3A_90, %dma_wait3A_111] : memref<425984x32xf32, #tpu.memory_space<hbm>> -> memref<1024x32xf32, #tpu.memory_space<hbm>>
    %dma_wait3A_113 = arith.constant 0 : i32
    %dma_wait3A_114 = arith.constant 0 : i32
    %dma_wait3A_115 = tpu.memref_slice %arg6[%dma_wait3A_104, %dma_wait3A_113, %dma_wait3A_114] : memref<2x1024x32xf32, #tpu.memory_space<vmem>> -> memref<1x1024x32xf32, #tpu.memory_space<vmem>>
    %dma_wait3A_116 = tpu.memref_squeeze %dma_wait3A_115 : memref<1x1024x32xf32, #tpu.memory_space<vmem>> -> memref<1024x32xf32, #tpu.memory_space<vmem>>
    tpu.wait_dma2 semaphore(%arg10 : memref<!tpu.dma_semaphore, #tpu.memory_space<semaphore_mem>>) src(%dma_wait3A_116 : memref<1024x32xf32, #tpu.memory_space<vmem>>) dst(%dma_wait3A_112 : memref<1024x32xf32, #tpu.memory_space<hbm>>)
    %dma_start3A_117 = arith.constant 3 : i32
    %dma_start3A_118 = arith.constant 1 : i32
    %dma_start3A_119 = arith.constant 0 : i32
    %dma_start3A_120 = arith.constant 0 : i32
    %dma_start3A_121 = tpu.memref_slice %arg6[%dma_start3A_118, %dma_start3A_119, %dma_start3A_120] : memref<2x1024x32xf32, #tpu.memory_space<vmem>> -> memref<1x1024x32xf32, #tpu.memory_space<vmem>>
    %dma_start3A_122 = tpu.memref_squeeze %dma_start3A_121 : memref<1x1024x32xf32, #tpu.memory_space<vmem>> -> memref<1024x32xf32, #tpu.memory_space<vmem>>
    %dma_start3A_123 = arith.constant 0 : i32
    %dma_start3A_124 = tpu.memref_slice %arg5[%dma_start3A_117, %dma_start3A_123] : memref<13x1024xi32, #tpu.memory_space<vmem>> -> memref<1x1024xi32, #tpu.memory_space<vmem>>
    %dma_start3A_125 = tpu.memref_squeeze %dma_start3A_124 : memref<1x1024xi32, #tpu.memory_space<vmem>> -> memref<1024xi32, #tpu.memory_space<vmem>>
    %dma_start3A_126 = arith.constant 0 : i32
    %dma_start3A_127 = arith.constant 0 : i32
    %dma_start3A_128 = tpu.memref_slice %arg3[%dma_start3A_126, %dma_start3A_127] : memref<1000000x32xf32, #tpu.memory_space<hbm>> -> memref<1000000x32xf32, #tpu.memory_space<hbm>>
    tpu.enqueue_indirect_dma source(%dma_start3A_128 : memref<1000000x32xf32, #tpu.memory_space<hbm>>) target(%dma_start3A_122 : memref<1024x32xf32, #tpu.memory_space<vmem>>) offsets(%dma_start3A_125 : memref<1024xi32, #tpu.memory_space<vmem>>) semaphore(%arg8 : memref<!tpu.dma_semaphore, #tpu.memory_space<semaphore_mem>>)
    %dma_wait3A_129 = arith.constant 2 : i32
    %dma_wait3A_130 = arith.constant 0 : i32
    %dma_wait3A_131 = arith.constant 0 : i32
    %dma_wait3A_132 = arith.constant 0 : i32
    %dma_wait3A_133 = tpu.memref_slice %arg6[%dma_wait3A_130, %dma_wait3A_131, %dma_wait3A_132] : memref<2x1024x32xf32, #tpu.memory_space<vmem>> -> memref<1x1024x32xf32, #tpu.memory_space<vmem>>
    %dma_wait3A_134 = tpu.memref_squeeze %dma_wait3A_133 : memref<1x1024x32xf32, #tpu.memory_space<vmem>> -> memref<1024x32xf32, #tpu.memory_space<vmem>>
    %dma_wait3A_135 = arith.constant 0 : i32
    %dma_wait3A_136 = tpu.memref_slice %arg5[%dma_wait3A_129, %dma_wait3A_135] : memref<13x1024xi32, #tpu.memory_space<vmem>> -> memref<1x1024xi32, #tpu.memory_space<vmem>>
    %dma_wait3A_137 = tpu.memref_squeeze %dma_wait3A_136 : memref<1x1024xi32, #tpu.memory_space<vmem>> -> memref<1024xi32, #tpu.memory_space<vmem>>
    %dma_wait3A_138 = arith.constant 0 : i32
    %dma_wait3A_139 = arith.constant 0 : i32
    %dma_wait3A_140 = tpu.memref_slice %arg3[%dma_wait3A_138, %dma_wait3A_139] : memref<1000000x32xf32, #tpu.memory_space<hbm>> -> memref<1000000x32xf32, #tpu.memory_space<hbm>>
    tpu.wait_indirect_dma semaphore(%arg7 : memref<!tpu.dma_semaphore, #tpu.memory_space<semaphore_mem>>) src(%dma_wait3A_140 : memref<1000000x32xf32, #tpu.memory_space<hbm>>) dst(%dma_wait3A_134 : memref<1024x32xf32, #tpu.memory_space<vmem>>)
    %add3A_141 = arith.constant 2048 : i32
    %add3A_142 = arith.addi %mul3A_2, %add3A_141 : i32
    %dma_start3A_143 = arith.constant 0 : i32
    %dma_start3A_144 = arith.constant 0 : i32
    %dma_start3A_145 = arith.constant 0 : i32
    %dma_start3A_146 = tpu.memref_slice %arg6[%dma_start3A_143, %dma_start3A_144, %dma_start3A_145] : memref<2x1024x32xf32, #tpu.memory_space<vmem>> -> memref<1x1024x32xf32, #tpu.memory_space<vmem>>
    %dma_start3A_147 = tpu.memref_squeeze %dma_start3A_146 : memref<1x1024x32xf32, #tpu.memory_space<vmem>> -> memref<1024x32xf32, #tpu.memory_space<vmem>>
    %dma_start3A_148 = arith.constant 0 : i32
    %dma_start3A_149 = tpu.memref_slice %arg4[%add3A_142, %dma_start3A_148] : memref<425984x32xf32, #tpu.memory_space<hbm>> -> memref<1024x32xf32, #tpu.memory_space<hbm>>
    %dma_start3A_150 = arith.constant 0 : i32
    %dma_start3A_151 = tpu.memref_slice %arg4[%add3A_142, %dma_start3A_150] : memref<425984x32xf32, #tpu.memory_space<hbm>> -> memref<1024x32xf32, #tpu.memory_space<hbm>>
    %dma_start3A_152 = arith.constant 0 : i32
    %dma_start3A_153 = arith.constant 0 : i32
    %dma_start3A_154 = tpu.memref_slice %arg6[%dma_start3A_143, %dma_start3A_152, %dma_start3A_153] : memref<2x1024x32xf32, #tpu.memory_space<vmem>> -> memref<1x1024x32xf32, #tpu.memory_space<vmem>>
    %dma_start3A_155 = tpu.memref_squeeze %dma_start3A_154 : memref<1x1024x32xf32, #tpu.memory_space<vmem>> -> memref<1024x32xf32, #tpu.memory_space<vmem>>
    tpu.enqueue_dma source(%dma_start3A_155 : memref<1024x32xf32, #tpu.memory_space<vmem>>) target(%dma_start3A_151 : memref<1024x32xf32, #tpu.memory_space<hbm>>) target_semaphore(%arg9 : memref<!tpu.dma_semaphore, #tpu.memory_space<semaphore_mem>>)
    %dma_wait3A_156 = arith.constant 0 : i32
    %dma_wait3A_157 = arith.constant 0 : i32
    %dma_wait3A_158 = arith.constant 0 : i32
    %dma_wait3A_159 = tpu.memref_slice %arg6[%dma_wait3A_156, %dma_wait3A_157, %dma_wait3A_158] : memref<2x1024x32xf32, #tpu.memory_space<vmem>> -> memref<1x1024x32xf32, #tpu.memory_space<vmem>>
    %dma_wait3A_160 = tpu.memref_squeeze %dma_wait3A_159 : memref<1x1024x32xf32, #tpu.memory_space<vmem>> -> memref<1024x32xf32, #tpu.memory_space<vmem>>
    %dma_wait3A_161 = arith.constant 0 : i32
    %dma_wait3A_162 = tpu.memref_slice %arg4[%add3A_142, %dma_wait3A_161] : memref<425984x32xf32, #tpu.memory_space<hbm>> -> memref<1024x32xf32, #tpu.memory_space<hbm>>
    %dma_wait3A_163 = arith.constant 0 : i32
    %dma_wait3A_164 = tpu.memref_slice %arg4[%add3A_142, %dma_wait3A_163] : memref<425984x32xf32, #tpu.memory_space<hbm>> -> memref<1024x32xf32, #tpu.memory_space<hbm>>
    %dma_wait3A_165 = arith.constant 0 : i32
    %dma_wait3A_166 = arith.constant 0 : i32
    %dma_wait3A_167 = tpu.memref_slice %arg6[%dma_wait3A_156, %dma_wait3A_165, %dma_wait3A_166] : memref<2x1024x32xf32, #tpu.memory_space<vmem>> -> memref<1x1024x32xf32, #tpu.memory_space<vmem>>
    %dma_wait3A_168 = tpu.memref_squeeze %dma_wait3A_167 : memref<1x1024x32xf32, #tpu.memory_space<vmem>> -> memref<1024x32xf32, #tpu.memory_space<vmem>>
    tpu.wait_dma2 semaphore(%arg9 : memref<!tpu.dma_semaphore, #tpu.memory_space<semaphore_mem>>) src(%dma_wait3A_168 : memref<1024x32xf32, #tpu.memory_space<vmem>>) dst(%dma_wait3A_164 : memref<1024x32xf32, #tpu.memory_space<hbm>>)
    %dma_start3A_169 = arith.constant 4 : i32
    %dma_start3A_170 = arith.constant 0 : i32
    %dma_start3A_171 = arith.constant 0 : i32
    %dma_start3A_172 = arith.constant 0 : i32
    %dma_start3A_173 = tpu.memref_slice %arg6[%dma_start3A_170, %dma_start3A_171, %dma_start3A_172] : memref<2x1024x32xf32, #tpu.memory_space<vmem>> -> memref<1x1024x32xf32, #tpu.memory_space<vmem>>
    %dma_start3A_174 = tpu.memref_squeeze %dma_start3A_173 : memref<1x1024x32xf32, #tpu.memory_space<vmem>> -> memref<1024x32xf32, #tpu.memory_space<vmem>>
    %dma_start3A_175 = arith.constant 0 : i32
    %dma_start3A_176 = tpu.memref_slice %arg5[%dma_start3A_169, %dma_start3A_175] : memref<13x1024xi32, #tpu.memory_space<vmem>> -> memref<1x1024xi32, #tpu.memory_space<vmem>>
    %dma_start3A_177 = tpu.memref_squeeze %dma_start3A_176 : memref<1x1024xi32, #tpu.memory_space<vmem>> -> memref<1024xi32, #tpu.memory_space<vmem>>
    %dma_start3A_178 = arith.constant 0 : i32
    %dma_start3A_179 = arith.constant 0 : i32
    %dma_start3A_180 = tpu.memref_slice %arg3[%dma_start3A_178, %dma_start3A_179] : memref<1000000x32xf32, #tpu.memory_space<hbm>> -> memref<1000000x32xf32, #tpu.memory_space<hbm>>
    tpu.enqueue_indirect_dma source(%dma_start3A_180 : memref<1000000x32xf32, #tpu.memory_space<hbm>>) target(%dma_start3A_174 : memref<1024x32xf32, #tpu.memory_space<vmem>>) offsets(%dma_start3A_177 : memref<1024xi32, #tpu.memory_space<vmem>>) semaphore(%arg7 : memref<!tpu.dma_semaphore, #tpu.memory_space<semaphore_mem>>)
    %dma_wait3A_181 = arith.constant 3 : i32
    %dma_wait3A_182 = arith.constant 1 : i32
    %dma_wait3A_183 = arith.constant 0 : i32
    %dma_wait3A_184 = arith.constant 0 : i32
    %dma_wait3A_185 = tpu.memref_slice %arg6[%dma_wait3A_182, %dma_wait3A_183, %dma_wait3A_184] : memref<2x1024x32xf32, #tpu.memory_space<vmem>> -> memref<1x1024x32xf32, #tpu.memory_space<vmem>>
    %dma_wait3A_186 = tpu.memref_squeeze %dma_wait3A_185 : memref<1x1024x32xf32, #tpu.memory_space<vmem>> -> memref<1024x32xf32, #tpu.memory_space<vmem>>
    %dma_wait3A_187 = arith.constant 0 : i32
    %dma_wait3A_188 = tpu.memref_slice %arg5[%dma_wait3A_181, %dma_wait3A_187] : memref<13x1024xi32, #tpu.memory_space<vmem>> -> memref<1x1024xi32, #tpu.memory_space<vmem>>
    %dma_wait3A_189 = tpu.memref_squeeze %dma_wait3A_188 : memref<1x1024xi32, #tpu.memory_space<vmem>> -> memref<1024xi32, #tpu.memory_space<vmem>>
    %dma_wait3A_190 = arith.constant 0 : i32
    %dma_wait3A_191 = arith.constant 0 : i32
    %dma_wait3A_192 = tpu.memref_slice %arg3[%dma_wait3A_190, %dma_wait3A_191] : memref<1000000x32xf32, #tpu.memory_space<hbm>> -> memref<1000000x32xf32, #tpu.memory_space<hbm>>
    tpu.wait_indirect_dma semaphore(%arg8 : memref<!tpu.dma_semaphore, #tpu.memory_space<semaphore_mem>>) src(%dma_wait3A_192 : memref<1000000x32xf32, #tpu.memory_space<hbm>>) dst(%dma_wait3A_186 : memref<1024x32xf32, #tpu.memory_space<vmem>>)
    %add3A_193 = arith.constant 3072 : i32
    %add3A_194 = arith.addi %mul3A_2, %add3A_193 : i32
    %dma_start3A_195 = arith.constant 1 : i32
    %dma_start3A_196 = arith.constant 0 : i32
    %dma_start3A_197 = arith.constant 0 : i32
    %dma_start3A_198 = tpu.memref_slice %arg6[%dma_start3A_195, %dma_start3A_196, %dma_start3A_197] : memref<2x1024x32xf32, #tpu.memory_space<vmem>> -> memref<1x1024x32xf32, #tpu.memory_space<vmem>>
    %dma_start3A_199 = tpu.memref_squeeze %dma_start3A_198 : memref<1x1024x32xf32, #tpu.memory_space<vmem>> -> memref<1024x32xf32, #tpu.memory_space<vmem>>
    %dma_start3A_200 = arith.constant 0 : i32
    %dma_start3A_201 = tpu.memref_slice %arg4[%add3A_194, %dma_start3A_200] : memref<425984x32xf32, #tpu.memory_space<hbm>> -> memref<1024x32xf32, #tpu.memory_space<hbm>>
    %dma_start3A_202 = arith.constant 0 : i32
    %dma_start3A_203 = tpu.memref_slice %arg4[%add3A_194, %dma_start3A_202] : memref<425984x32xf32, #tpu.memory_space<hbm>> -> memref<1024x32xf32, #tpu.memory_space<hbm>>
    %dma_start3A_204 = arith.constant 0 : i32
    %dma_start3A_205 = arith.constant 0 : i32
    %dma_start3A_206 = tpu.memref_slice %arg6[%dma_start3A_195, %dma_start3A_204, %dma_start3A_205] : memref<2x1024x32xf32, #tpu.memory_space<vmem>> -> memref<1x1024x32xf32, #tpu.memory_space<vmem>>
    %dma_start3A_207 = tpu.memref_squeeze %dma_start3A_206 : memref<1x1024x32xf32, #tpu.memory_space<vmem>> -> memref<1024x32xf32, #tpu.memory_space<vmem>>
    tpu.enqueue_dma source(%dma_start3A_207 : memref<1024x32xf32, #tpu.memory_space<vmem>>) target(%dma_start3A_203 : memref<1024x32xf32, #tpu.memory_space<hbm>>) target_semaphore(%arg10 : memref<!tpu.dma_semaphore, #tpu.memory_space<semaphore_mem>>)
    %dma_wait3A_208 = arith.constant 1 : i32
    %dma_wait3A_209 = arith.constant 0 : i32
    %dma_wait3A_210 = arith.constant 0 : i32
    %dma_wait3A_211 = tpu.memref_slice %arg6[%dma_wait3A_208, %dma_wait3A_209, %dma_wait3A_210] : memref<2x1024x32xf32, #tpu.memory_space<vmem>> -> memref<1x1024x32xf32, #tpu.memory_space<vmem>>
    %dma_wait3A_212 = tpu.memref_squeeze %dma_wait3A_211 : memref<1x1024x32xf32, #tpu.memory_space<vmem>> -> memref<1024x32xf32, #tpu.memory_space<vmem>>
    %dma_wait3A_213 = arith.constant 0 : i32
    %dma_wait3A_214 = tpu.memref_slice %arg4[%add3A_194, %dma_wait3A_213] : memref<425984x32xf32, #tpu.memory_space<hbm>> -> memref<1024x32xf32, #tpu.memory_space<hbm>>
    %dma_wait3A_215 = arith.constant 0 : i32
    %dma_wait3A_216 = tpu.memref_slice %arg4[%add3A_194, %dma_wait3A_215] : memref<425984x32xf32, #tpu.memory_space<hbm>> -> memref<1024x32xf32, #tpu.memory_space<hbm>>
    %dma_wait3A_217 = arith.constant 0 : i32
    %dma_wait3A_218 = arith.constant 0 : i32
    %dma_wait3A_219 = tpu.memref_slice %arg6[%dma_wait3A_208, %dma_wait3A_217, %dma_wait3A_218] : memref<2x1024x32xf32, #tpu.memory_space<vmem>> -> memref<1x1024x32xf32, #tpu.memory_space<vmem>>
    %dma_wait3A_220 = tpu.memref_squeeze %dma_wait3A_219 : memref<1x1024x32xf32, #tpu.memory_space<vmem>> -> memref<1024x32xf32, #tpu.memory_space<vmem>>
    tpu.wait_dma2 semaphore(%arg10 : memref<!tpu.dma_semaphore, #tpu.memory_space<semaphore_mem>>) src(%dma_wait3A_220 : memref<1024x32xf32, #tpu.memory_space<vmem>>) dst(%dma_wait3A_216 : memref<1024x32xf32, #tpu.memory_space<hbm>>)
    %dma_start3A_221 = arith.constant 5 : i32
    %dma_start3A_222 = arith.constant 1 : i32
    %dma_start3A_223 = arith.constant 0 : i32
    %dma_start3A_224 = arith.constant 0 : i32
    %dma_start3A_225 = tpu.memref_slice %arg6[%dma_start3A_222, %dma_start3A_223, %dma_start3A_224] : memref<2x1024x32xf32, #tpu.memory_space<vmem>> -> memref<1x1024x32xf32, #tpu.memory_space<vmem>>
    %dma_start3A_226 = tpu.memref_squeeze %dma_start3A_225 : memref<1x1024x32xf32, #tpu.memory_space<vmem>> -> memref<1024x32xf32, #tpu.memory_space<vmem>>
    %dma_start3A_227 = arith.constant 0 : i32
    %dma_start3A_228 = tpu.memref_slice %arg5[%dma_start3A_221, %dma_start3A_227] : memref<13x1024xi32, #tpu.memory_space<vmem>> -> memref<1x1024xi32, #tpu.memory_space<vmem>>
    %dma_start3A_229 = tpu.memref_squeeze %dma_start3A_228 : memref<1x1024xi32, #tpu.memory_space<vmem>> -> memref<1024xi32, #tpu.memory_space<vmem>>
    %dma_start3A_230 = arith.constant 0 : i32
    %dma_start3A_231 = arith.constant 0 : i32
    %dma_start3A_232 = tpu.memref_slice %arg3[%dma_start3A_230, %dma_start3A_231] : memref<1000000x32xf32, #tpu.memory_space<hbm>> -> memref<1000000x32xf32, #tpu.memory_space<hbm>>
    tpu.enqueue_indirect_dma source(%dma_start3A_232 : memref<1000000x32xf32, #tpu.memory_space<hbm>>) target(%dma_start3A_226 : memref<1024x32xf32, #tpu.memory_space<vmem>>) offsets(%dma_start3A_229 : memref<1024xi32, #tpu.memory_space<vmem>>) semaphore(%arg8 : memref<!tpu.dma_semaphore, #tpu.memory_space<semaphore_mem>>)
    %dma_wait3A_233 = arith.constant 4 : i32
    %dma_wait3A_234 = arith.constant 0 : i32
    %dma_wait3A_235 = arith.constant 0 : i32
    %dma_wait3A_236 = arith.constant 0 : i32
    %dma_wait3A_237 = tpu.memref_slice %arg6[%dma_wait3A_234, %dma_wait3A_235, %dma_wait3A_236] : memref<2x1024x32xf32, #tpu.memory_space<vmem>> -> memref<1x1024x32xf32, #tpu.memory_space<vmem>>
    %dma_wait3A_238 = tpu.memref_squeeze %dma_wait3A_237 : memref<1x1024x32xf32, #tpu.memory_space<vmem>> -> memref<1024x32xf32, #tpu.memory_space<vmem>>
    %dma_wait3A_239 = arith.constant 0 : i32
    %dma_wait3A_240 = tpu.memref_slice %arg5[%dma_wait3A_233, %dma_wait3A_239] : memref<13x1024xi32, #tpu.memory_space<vmem>> -> memref<1x1024xi32, #tpu.memory_space<vmem>>
    %dma_wait3A_241 = tpu.memref_squeeze %dma_wait3A_240 : memref<1x1024xi32, #tpu.memory_space<vmem>> -> memref<1024xi32, #tpu.memory_space<vmem>>
    %dma_wait3A_242 = arith.constant 0 : i32
    %dma_wait3A_243 = arith.constant 0 : i32
    %dma_wait3A_244 = tpu.memref_slice %arg3[%dma_wait3A_242, %dma_wait3A_243] : memref<1000000x32xf32, #tpu.memory_space<hbm>> -> memref<1000000x32xf32, #tpu.memory_space<hbm>>
    tpu.wait_indirect_dma semaphore(%arg7 : memref<!tpu.dma_semaphore, #tpu.memory_space<semaphore_mem>>) src(%dma_wait3A_244 : memref<1000000x32xf32, #tpu.memory_space<hbm>>) dst(%dma_wait3A_238 : memref<1024x32xf32, #tpu.memory_space<vmem>>)
    %add3A_245 = arith.constant 4096 : i32
    %add3A_246 = arith.addi %mul3A_2, %add3A_245 : i32
    %dma_start3A_247 = arith.constant 0 : i32
    %dma_start3A_248 = arith.constant 0 : i32
    %dma_start3A_249 = arith.constant 0 : i32
    %dma_start3A_250 = tpu.memref_slice %arg6[%dma_start3A_247, %dma_start3A_248, %dma_start3A_249] : memref<2x1024x32xf32, #tpu.memory_space<vmem>> -> memref<1x1024x32xf32, #tpu.memory_space<vmem>>
    %dma_start3A_251 = tpu.memref_squeeze %dma_start3A_250 : memref<1x1024x32xf32, #tpu.memory_space<vmem>> -> memref<1024x32xf32, #tpu.memory_space<vmem>>
    %dma_start3A_252 = arith.constant 0 : i32
    %dma_start3A_253 = tpu.memref_slice %arg4[%add3A_246, %dma_start3A_252] : memref<425984x32xf32, #tpu.memory_space<hbm>> -> memref<1024x32xf32, #tpu.memory_space<hbm>>
    %dma_start3A_254 = arith.constant 0 : i32
    %dma_start3A_255 = tpu.memref_slice %arg4[%add3A_246, %dma_start3A_254] : memref<425984x32xf32, #tpu.memory_space<hbm>> -> memref<1024x32xf32, #tpu.memory_space<hbm>>
    %dma_start3A_256 = arith.constant 0 : i32
    %dma_start3A_257 = arith.constant 0 : i32
    %dma_start3A_258 = tpu.memref_slice %arg6[%dma_start3A_247, %dma_start3A_256, %dma_start3A_257] : memref<2x1024x32xf32, #tpu.memory_space<vmem>> -> memref<1x1024x32xf32, #tpu.memory_space<vmem>>
    %dma_start3A_259 = tpu.memref_squeeze %dma_start3A_258 : memref<1x1024x32xf32, #tpu.memory_space<vmem>> -> memref<1024x32xf32, #tpu.memory_space<vmem>>
    tpu.enqueue_dma source(%dma_start3A_259 : memref<1024x32xf32, #tpu.memory_space<vmem>>) target(%dma_start3A_255 : memref<1024x32xf32, #tpu.memory_space<hbm>>) target_semaphore(%arg9 : memref<!tpu.dma_semaphore, #tpu.memory_space<semaphore_mem>>)
    %dma_wait3A_260 = arith.constant 0 : i32
    %dma_wait3A_261 = arith.constant 0 : i32
    %dma_wait3A_262 = arith.constant 0 : i32
    %dma_wait3A_263 = tpu.memref_slice %arg6[%dma_wait3A_260, %dma_wait3A_261, %dma_wait3A_262] : memref<2x1024x32xf32, #tpu.memory_space<vmem>> -> memref<1x1024x32xf32, #tpu.memory_space<vmem>>
    %dma_wait3A_264 = tpu.memref_squeeze %dma_wait3A_263 : memref<1x1024x32xf32, #tpu.memory_space<vmem>> -> memref<1024x32xf32, #tpu.memory_space<vmem>>
    %dma_wait3A_265 = arith.constant 0 : i32
    %dma_wait3A_266 = tpu.memref_slice %arg4[%add3A_246, %dma_wait3A_265] : memref<425984x32xf32, #tpu.memory_space<hbm>> -> memref<1024x32xf32, #tpu.memory_space<hbm>>
    %dma_wait3A_267 = arith.constant 0 : i32
    %dma_wait3A_268 = tpu.memref_slice %arg4[%add3A_246, %dma_wait3A_267] : memref<425984x32xf32, #tpu.memory_space<hbm>> -> memref<1024x32xf32, #tpu.memory_space<hbm>>
    %dma_wait3A_269 = arith.constant 0 : i32
    %dma_wait3A_270 = arith.constant 0 : i32
    %dma_wait3A_271 = tpu.memref_slice %arg6[%dma_wait3A_260, %dma_wait3A_269, %dma_wait3A_270] : memref<2x1024x32xf32, #tpu.memory_space<vmem>> -> memref<1x1024x32xf32, #tpu.memory_space<vmem>>
    %dma_wait3A_272 = tpu.memref_squeeze %dma_wait3A_271 : memref<1x1024x32xf32, #tpu.memory_space<vmem>> -> memref<1024x32xf32, #tpu.memory_space<vmem>>
    tpu.wait_dma2 semaphore(%arg9 : memref<!tpu.dma_semaphore, #tpu.memory_space<semaphore_mem>>) src(%dma_wait3A_272 : memref<1024x32xf32, #tpu.memory_space<vmem>>) dst(%dma_wait3A_268 : memref<1024x32xf32, #tpu.memory_space<hbm>>)
    %dma_start3A_273 = arith.constant 6 : i32
    %dma_start3A_274 = arith.constant 0 : i32
    %dma_start3A_275 = arith.constant 0 : i32
    %dma_start3A_276 = arith.constant 0 : i32
    %dma_start3A_277 = tpu.memref_slice %arg6[%dma_start3A_274, %dma_start3A_275, %dma_start3A_276] : memref<2x1024x32xf32, #tpu.memory_space<vmem>> -> memref<1x1024x32xf32, #tpu.memory_space<vmem>>
    %dma_start3A_278 = tpu.memref_squeeze %dma_start3A_277 : memref<1x1024x32xf32, #tpu.memory_space<vmem>> -> memref<1024x32xf32, #tpu.memory_space<vmem>>
    %dma_start3A_279 = arith.constant 0 : i32
    %dma_start3A_280 = tpu.memref_slice %arg5[%dma_start3A_273, %dma_start3A_279] : memref<13x1024xi32, #tpu.memory_space<vmem>> -> memref<1x1024xi32, #tpu.memory_space<vmem>>
    %dma_start3A_281 = tpu.memref_squeeze %dma_start3A_280 : memref<1x1024xi32, #tpu.memory_space<vmem>> -> memref<1024xi32, #tpu.memory_space<vmem>>
    %dma_start3A_282 = arith.constant 0 : i32
    %dma_start3A_283 = arith.constant 0 : i32
    %dma_start3A_284 = tpu.memref_slice %arg3[%dma_start3A_282, %dma_start3A_283] : memref<1000000x32xf32, #tpu.memory_space<hbm>> -> memref<1000000x32xf32, #tpu.memory_space<hbm>>
    tpu.enqueue_indirect_dma source(%dma_start3A_284 : memref<1000000x32xf32, #tpu.memory_space<hbm>>) target(%dma_start3A_278 : memref<1024x32xf32, #tpu.memory_space<vmem>>) offsets(%dma_start3A_281 : memref<1024xi32, #tpu.memory_space<vmem>>) semaphore(%arg7 : memref<!tpu.dma_semaphore, #tpu.memory_space<semaphore_mem>>)
    %dma_wait3A_285 = arith.constant 5 : i32
    %dma_wait3A_286 = arith.constant 1 : i32
    %dma_wait3A_287 = arith.constant 0 : i32
    %dma_wait3A_288 = arith.constant 0 : i32
    %dma_wait3A_289 = tpu.memref_slice %arg6[%dma_wait3A_286, %dma_wait3A_287, %dma_wait3A_288] : memref<2x1024x32xf32, #tpu.memory_space<vmem>> -> memref<1x1024x32xf32, #tpu.memory_space<vmem>>
    %dma_wait3A_290 = tpu.memref_squeeze %dma_wait3A_289 : memref<1x1024x32xf32, #tpu.memory_space<vmem>> -> memref<1024x32xf32, #tpu.memory_space<vmem>>
    %dma_wait3A_291 = arith.constant 0 : i32
    %dma_wait3A_292 = tpu.memref_slice %arg5[%dma_wait3A_285, %dma_wait3A_291] : memref<13x1024xi32, #tpu.memory_space<vmem>> -> memref<1x1024xi32, #tpu.memory_space<vmem>>
    %dma_wait3A_293 = tpu.memref_squeeze %dma_wait3A_292 : memref<1x1024xi32, #tpu.memory_space<vmem>> -> memref<1024xi32, #tpu.memory_space<vmem>>
    %dma_wait3A_294 = arith.constant 0 : i32
    %dma_wait3A_295 = arith.constant 0 : i32
    %dma_wait3A_296 = tpu.memref_slice %arg3[%dma_wait3A_294, %dma_wait3A_295] : memref<1000000x32xf32, #tpu.memory_space<hbm>> -> memref<1000000x32xf32, #tpu.memory_space<hbm>>
    tpu.wait_indirect_dma semaphore(%arg8 : memref<!tpu.dma_semaphore, #tpu.memory_space<semaphore_mem>>) src(%dma_wait3A_296 : memref<1000000x32xf32, #tpu.memory_space<hbm>>) dst(%dma_wait3A_290 : memref<1024x32xf32, #tpu.memory_space<vmem>>)
    %add3A_297 = arith.constant 5120 : i32
    %add3A_298 = arith.addi %mul3A_2, %add3A_297 : i32
    %dma_start3A_299 = arith.constant 1 : i32
    %dma_start3A_300 = arith.constant 0 : i32
    %dma_start3A_301 = arith.constant 0 : i32
    %dma_start3A_302 = tpu.memref_slice %arg6[%dma_start3A_299, %dma_start3A_300, %dma_start3A_301] : memref<2x1024x32xf32, #tpu.memory_space<vmem>> -> memref<1x1024x32xf32, #tpu.memory_space<vmem>>
    %dma_start3A_303 = tpu.memref_squeeze %dma_start3A_302 : memref<1x1024x32xf32, #tpu.memory_space<vmem>> -> memref<1024x32xf32, #tpu.memory_space<vmem>>
    %dma_start3A_304 = arith.constant 0 : i32
    %dma_start3A_305 = tpu.memref_slice %arg4[%add3A_298, %dma_start3A_304] : memref<425984x32xf32, #tpu.memory_space<hbm>> -> memref<1024x32xf32, #tpu.memory_space<hbm>>
    %dma_start3A_306 = arith.constant 0 : i32
    %dma_start3A_307 = tpu.memref_slice %arg4[%add3A_298, %dma_start3A_306] : memref<425984x32xf32, #tpu.memory_space<hbm>> -> memref<1024x32xf32, #tpu.memory_space<hbm>>
    %dma_start3A_308 = arith.constant 0 : i32
    %dma_start3A_309 = arith.constant 0 : i32
    %dma_start3A_310 = tpu.memref_slice %arg6[%dma_start3A_299, %dma_start3A_308, %dma_start3A_309] : memref<2x1024x32xf32, #tpu.memory_space<vmem>> -> memref<1x1024x32xf32, #tpu.memory_space<vmem>>
    %dma_start3A_311 = tpu.memref_squeeze %dma_start3A_310 : memref<1x1024x32xf32, #tpu.memory_space<vmem>> -> memref<1024x32xf32, #tpu.memory_space<vmem>>
    tpu.enqueue_dma source(%dma_start3A_311 : memref<1024x32xf32, #tpu.memory_space<vmem>>) target(%dma_start3A_307 : memref<1024x32xf32, #tpu.memory_space<hbm>>) target_semaphore(%arg10 : memref<!tpu.dma_semaphore, #tpu.memory_space<semaphore_mem>>)
    %dma_wait3A_312 = arith.constant 1 : i32
    %dma_wait3A_313 = arith.constant 0 : i32
    %dma_wait3A_314 = arith.constant 0 : i32
    %dma_wait3A_315 = tpu.memref_slice %arg6[%dma_wait3A_312, %dma_wait3A_313, %dma_wait3A_314] : memref<2x1024x32xf32, #tpu.memory_space<vmem>> -> memref<1x1024x32xf32, #tpu.memory_space<vmem>>
    %dma_wait3A_316 = tpu.memref_squeeze %dma_wait3A_315 : memref<1x1024x32xf32, #tpu.memory_space<vmem>> -> memref<1024x32xf32, #tpu.memory_space<vmem>>
    %dma_wait3A_317 = arith.constant 0 : i32
    %dma_wait3A_318 = tpu.memref_slice %arg4[%add3A_298, %dma_wait3A_317] : memref<425984x32xf32, #tpu.memory_space<hbm>> -> memref<1024x32xf32, #tpu.memory_space<hbm>>
    %dma_wait3A_319 = arith.constant 0 : i32
    %dma_wait3A_320 = tpu.memref_slice %arg4[%add3A_298, %dma_wait3A_319] : memref<425984x32xf32, #tpu.memory_space<hbm>> -> memref<1024x32xf32, #tpu.memory_space<hbm>>
    %dma_wait3A_321 = arith.constant 0 : i32
    %dma_wait3A_322 = arith.constant 0 : i32
    %dma_wait3A_323 = tpu.memref_slice %arg6[%dma_wait3A_312, %dma_wait3A_321, %dma_wait3A_322] : memref<2x1024x32xf32, #tpu.memory_space<vmem>> -> memref<1x1024x32xf32, #tpu.memory_space<vmem>>
    %dma_wait3A_324 = tpu.memref_squeeze %dma_wait3A_323 : memref<1x1024x32xf32, #tpu.memory_space<vmem>> -> memref<1024x32xf32, #tpu.memory_space<vmem>>
    tpu.wait_dma2 semaphore(%arg10 : memref<!tpu.dma_semaphore, #tpu.memory_space<semaphore_mem>>) src(%dma_wait3A_324 : memref<1024x32xf32, #tpu.memory_space<vmem>>) dst(%dma_wait3A_320 : memref<1024x32xf32, #tpu.memory_space<hbm>>)
    %dma_start3A_325 = arith.constant 7 : i32
    %dma_start3A_326 = arith.constant 1 : i32
    %dma_start3A_327 = arith.constant 0 : i32
    %dma_start3A_328 = arith.constant 0 : i32
    %dma_start3A_329 = tpu.memref_slice %arg6[%dma_start3A_326, %dma_start3A_327, %dma_start3A_328] : memref<2x1024x32xf32, #tpu.memory_space<vmem>> -> memref<1x1024x32xf32, #tpu.memory_space<vmem>>
    %dma_start3A_330 = tpu.memref_squeeze %dma_start3A_329 : memref<1x1024x32xf32, #tpu.memory_space<vmem>> -> memref<1024x32xf32, #tpu.memory_space<vmem>>
    %dma_start3A_331 = arith.constant 0 : i32
    %dma_start3A_332 = tpu.memref_slice %arg5[%dma_start3A_325, %dma_start3A_331] : memref<13x1024xi32, #tpu.memory_space<vmem>> -> memref<1x1024xi32, #tpu.memory_space<vmem>>
    %dma_start3A_333 = tpu.memref_squeeze %dma_start3A_332 : memref<1x1024xi32, #tpu.memory_space<vmem>> -> memref<1024xi32, #tpu.memory_space<vmem>>
    %dma_start3A_334 = arith.constant 0 : i32
    %dma_start3A_335 = arith.constant 0 : i32
    %dma_start3A_336 = tpu.memref_slice %arg3[%dma_start3A_334, %dma_start3A_335] : memref<1000000x32xf32, #tpu.memory_space<hbm>> -> memref<1000000x32xf32, #tpu.memory_space<hbm>>
    tpu.enqueue_indirect_dma source(%dma_start3A_336 : memref<1000000x32xf32, #tpu.memory_space<hbm>>) target(%dma_start3A_330 : memref<1024x32xf32, #tpu.memory_space<vmem>>) offsets(%dma_start3A_333 : memref<1024xi32, #tpu.memory_space<vmem>>) semaphore(%arg8 : memref<!tpu.dma_semaphore, #tpu.memory_space<semaphore_mem>>)
    %dma_wait3A_337 = arith.constant 6 : i32
    %dma_wait3A_338 = arith.constant 0 : i32
    %dma_wait3A_339 = arith.constant 0 : i32
    %dma_wait3A_340 = arith.constant 0 : i32
    %dma_wait3A_341 = tpu.memref_slice %arg6[%dma_wait3A_338, %dma_wait3A_339, %dma_wait3A_340] : memref<2x1024x32xf32, #tpu.memory_space<vmem>> -> memref<1x1024x32xf32, #tpu.memory_space<vmem>>
    %dma_wait3A_342 = tpu.memref_squeeze %dma_wait3A_341 : memref<1x1024x32xf32, #tpu.memory_space<vmem>> -> memref<1024x32xf32, #tpu.memory_space<vmem>>
    %dma_wait3A_343 = arith.constant 0 : i32
    %dma_wait3A_344 = tpu.memref_slice %arg5[%dma_wait3A_337, %dma_wait3A_343] : memref<13x1024xi32, #tpu.memory_space<vmem>> -> memref<1x1024xi32, #tpu.memory_space<vmem>>
    %dma_wait3A_345 = tpu.memref_squeeze %dma_wait3A_344 : memref<1x1024xi32, #tpu.memory_space<vmem>> -> memref<1024xi32, #tpu.memory_space<vmem>>
    %dma_wait3A_346 = arith.constant 0 : i32
    %dma_wait3A_347 = arith.constant 0 : i32
    %dma_wait3A_348 = tpu.memref_slice %arg3[%dma_wait3A_346, %dma_wait3A_347] : memref<1000000x32xf32, #tpu.memory_space<hbm>> -> memref<1000000x32xf32, #tpu.memory_space<hbm>>
    tpu.wait_indirect_dma semaphore(%arg7 : memref<!tpu.dma_semaphore, #tpu.memory_space<semaphore_mem>>) src(%dma_wait3A_348 : memref<1000000x32xf32, #tpu.memory_space<hbm>>) dst(%dma_wait3A_342 : memref<1024x32xf32, #tpu.memory_space<vmem>>)
    %add3A_349 = arith.constant 6144 : i32
    %add3A_350 = arith.addi %mul3A_2, %add3A_349 : i32
    %dma_start3A_351 = arith.constant 0 : i32
    %dma_start3A_352 = arith.constant 0 : i32
    %dma_start3A_353 = arith.constant 0 : i32
    %dma_start3A_354 = tpu.memref_slice %arg6[%dma_start3A_351, %dma_start3A_352, %dma_start3A_353] : memref<2x1024x32xf32, #tpu.memory_space<vmem>> -> memref<1x1024x32xf32, #tpu.memory_space<vmem>>
    %dma_start3A_355 = tpu.memref_squeeze %dma_start3A_354 : memref<1x1024x32xf32, #tpu.memory_space<vmem>> -> memref<1024x32xf32, #tpu.memory_space<vmem>>
    %dma_start3A_356 = arith.constant 0 : i32
    %dma_start3A_357 = tpu.memref_slice %arg4[%add3A_350, %dma_start3A_356] : memref<425984x32xf32, #tpu.memory_space<hbm>> -> memref<1024x32xf32, #tpu.memory_space<hbm>>
    %dma_start3A_358 = arith.constant 0 : i32
    %dma_start3A_359 = tpu.memref_slice %arg4[%add3A_350, %dma_start3A_358] : memref<425984x32xf32, #tpu.memory_space<hbm>> -> memref<1024x32xf32, #tpu.memory_space<hbm>>
    %dma_start3A_360 = arith.constant 0 : i32
    %dma_start3A_361 = arith.constant 0 : i32
    %dma_start3A_362 = tpu.memref_slice %arg6[%dma_start3A_351, %dma_start3A_360, %dma_start3A_361] : memref<2x1024x32xf32, #tpu.memory_space<vmem>> -> memref<1x1024x32xf32, #tpu.memory_space<vmem>>
    %dma_start3A_363 = tpu.memref_squeeze %dma_start3A_362 : memref<1x1024x32xf32, #tpu.memory_space<vmem>> -> memref<1024x32xf32, #tpu.memory_space<vmem>>
    tpu.enqueue_dma source(%dma_start3A_363 : memref<1024x32xf32, #tpu.memory_space<vmem>>) target(%dma_start3A_359 : memref<1024x32xf32, #tpu.memory_space<hbm>>) target_semaphore(%arg9 : memref<!tpu.dma_semaphore, #tpu.memory_space<semaphore_mem>>)
    %dma_wait3A_364 = arith.constant 0 : i32
    %dma_wait3A_365 = arith.constant 0 : i32
    %dma_wait3A_366 = arith.constant 0 : i32
    %dma_wait3A_367 = tpu.memref_slice %arg6[%dma_wait3A_364, %dma_wait3A_365, %dma_wait3A_366] : memref<2x1024x32xf32, #tpu.memory_space<vmem>> -> memref<1x1024x32xf32, #tpu.memory_space<vmem>>
    %dma_wait3A_368 = tpu.memref_squeeze %dma_wait3A_367 : memref<1x1024x32xf32, #tpu.memory_space<vmem>> -> memref<1024x32xf32, #tpu.memory_space<vmem>>
    %dma_wait3A_369 = arith.constant 0 : i32
    %dma_wait3A_370 = tpu.memref_slice %arg4[%add3A_350, %dma_wait3A_369] : memref<425984x32xf32, #tpu.memory_space<hbm>> -> memref<1024x32xf32, #tpu.memory_space<hbm>>
    %dma_wait3A_371 = arith.constant 0 : i32
    %dma_wait3A_372 = tpu.memref_slice %arg4[%add3A_350, %dma_wait3A_371] : memref<425984x32xf32, #tpu.memory_space<hbm>> -> memref<1024x32xf32, #tpu.memory_space<hbm>>
    %dma_wait3A_373 = arith.constant 0 : i32
    %dma_wait3A_374 = arith.constant 0 : i32
    %dma_wait3A_375 = tpu.memref_slice %arg6[%dma_wait3A_364, %dma_wait3A_373, %dma_wait3A_374] : memref<2x1024x32xf32, #tpu.memory_space<vmem>> -> memref<1x1024x32xf32, #tpu.memory_space<vmem>>
    %dma_wait3A_376 = tpu.memref_squeeze %dma_wait3A_375 : memref<1x1024x32xf32, #tpu.memory_space<vmem>> -> memref<1024x32xf32, #tpu.memory_space<vmem>>
    tpu.wait_dma2 semaphore(%arg9 : memref<!tpu.dma_semaphore, #tpu.memory_space<semaphore_mem>>) src(%dma_wait3A_376 : memref<1024x32xf32, #tpu.memory_space<vmem>>) dst(%dma_wait3A_372 : memref<1024x32xf32, #tpu.memory_space<hbm>>)
    %dma_start3A_377 = arith.constant 8 : i32
    %dma_start3A_378 = arith.constant 0 : i32
    %dma_start3A_379 = arith.constant 0 : i32
    %dma_start3A_380 = arith.constant 0 : i32
    %dma_start3A_381 = tpu.memref_slice %arg6[%dma_start3A_378, %dma_start3A_379, %dma_start3A_380] : memref<2x1024x32xf32, #tpu.memory_space<vmem>> -> memref<1x1024x32xf32, #tpu.memory_space<vmem>>
    %dma_start3A_382 = tpu.memref_squeeze %dma_start3A_381 : memref<1x1024x32xf32, #tpu.memory_space<vmem>> -> memref<1024x32xf32, #tpu.memory_space<vmem>>
    %dma_start3A_383 = arith.constant 0 : i32
    %dma_start3A_384 = tpu.memref_slice %arg5[%dma_start3A_377, %dma_start3A_383] : memref<13x1024xi32, #tpu.memory_space<vmem>> -> memref<1x1024xi32, #tpu.memory_space<vmem>>
    %dma_start3A_385 = tpu.memref_squeeze %dma_start3A_384 : memref<1x1024xi32, #tpu.memory_space<vmem>> -> memref<1024xi32, #tpu.memory_space<vmem>>
    %dma_start3A_386 = arith.constant 0 : i32
    %dma_start3A_387 = arith.constant 0 : i32
    %dma_start3A_388 = tpu.memref_slice %arg3[%dma_start3A_386, %dma_start3A_387] : memref<1000000x32xf32, #tpu.memory_space<hbm>> -> memref<1000000x32xf32, #tpu.memory_space<hbm>>
    tpu.enqueue_indirect_dma source(%dma_start3A_388 : memref<1000000x32xf32, #tpu.memory_space<hbm>>) target(%dma_start3A_382 : memref<1024x32xf32, #tpu.memory_space<vmem>>) offsets(%dma_start3A_385 : memref<1024xi32, #tpu.memory_space<vmem>>) semaphore(%arg7 : memref<!tpu.dma_semaphore, #tpu.memory_space<semaphore_mem>>)
    %dma_wait3A_389 = arith.constant 7 : i32
    %dma_wait3A_390 = arith.constant 1 : i32
    %dma_wait3A_391 = arith.constant 0 : i32
    %dma_wait3A_392 = arith.constant 0 : i32
    %dma_wait3A_393 = tpu.memref_slice %arg6[%dma_wait3A_390, %dma_wait3A_391, %dma_wait3A_392] : memref<2x1024x32xf32, #tpu.memory_space<vmem>> -> memref<1x1024x32xf32, #tpu.memory_space<vmem>>
    %dma_wait3A_394 = tpu.memref_squeeze %dma_wait3A_393 : memref<1x1024x32xf32, #tpu.memory_space<vmem>> -> memref<1024x32xf32, #tpu.memory_space<vmem>>
    %dma_wait3A_395 = arith.constant 0 : i32
    %dma_wait3A_396 = tpu.memref_slice %arg5[%dma_wait3A_389, %dma_wait3A_395] : memref<13x1024xi32, #tpu.memory_space<vmem>> -> memref<1x1024xi32, #tpu.memory_space<vmem>>
    %dma_wait3A_397 = tpu.memref_squeeze %dma_wait3A_396 : memref<1x1024xi32, #tpu.memory_space<vmem>> -> memref<1024xi32, #tpu.memory_space<vmem>>
    %dma_wait3A_398 = arith.constant 0 : i32
    %dma_wait3A_399 = arith.constant 0 : i32
    %dma_wait3A_400 = tpu.memref_slice %arg3[%dma_wait3A_398, %dma_wait3A_399] : memref<1000000x32xf32, #tpu.memory_space<hbm>> -> memref<1000000x32xf32, #tpu.memory_space<hbm>>
    tpu.wait_indirect_dma semaphore(%arg8 : memref<!tpu.dma_semaphore, #tpu.memory_space<semaphore_mem>>) src(%dma_wait3A_400 : memref<1000000x32xf32, #tpu.memory_space<hbm>>) dst(%dma_wait3A_394 : memref<1024x32xf32, #tpu.memory_space<vmem>>)
    %add3A_401 = arith.constant 7168 : i32
    %add3A_402 = arith.addi %mul3A_2, %add3A_401 : i32
    %dma_start3A_403 = arith.constant 1 : i32
    %dma_start3A_404 = arith.constant 0 : i32
    %dma_start3A_405 = arith.constant 0 : i32
    %dma_start3A_406 = tpu.memref_slice %arg6[%dma_start3A_403, %dma_start3A_404, %dma_start3A_405] : memref<2x1024x32xf32, #tpu.memory_space<vmem>> -> memref<1x1024x32xf32, #tpu.memory_space<vmem>>
    %dma_start3A_407 = tpu.memref_squeeze %dma_start3A_406 : memref<1x1024x32xf32, #tpu.memory_space<vmem>> -> memref<1024x32xf32, #tpu.memory_space<vmem>>
    %dma_start3A_408 = arith.constant 0 : i32
    %dma_start3A_409 = tpu.memref_slice %arg4[%add3A_402, %dma_start3A_408] : memref<425984x32xf32, #tpu.memory_space<hbm>> -> memref<1024x32xf32, #tpu.memory_space<hbm>>
    %dma_start3A_410 = arith.constant 0 : i32
    %dma_start3A_411 = tpu.memref_slice %arg4[%add3A_402, %dma_start3A_410] : memref<425984x32xf32, #tpu.memory_space<hbm>> -> memref<1024x32xf32, #tpu.memory_space<hbm>>
    %dma_start3A_412 = arith.constant 0 : i32
    %dma_start3A_413 = arith.constant 0 : i32
    %dma_start3A_414 = tpu.memref_slice %arg6[%dma_start3A_403, %dma_start3A_412, %dma_start3A_413] : memref<2x1024x32xf32, #tpu.memory_space<vmem>> -> memref<1x1024x32xf32, #tpu.memory_space<vmem>>
    %dma_start3A_415 = tpu.memref_squeeze %dma_start3A_414 : memref<1x1024x32xf32, #tpu.memory_space<vmem>> -> memref<1024x32xf32, #tpu.memory_space<vmem>>
    tpu.enqueue_dma source(%dma_start3A_415 : memref<1024x32xf32, #tpu.memory_space<vmem>>) target(%dma_start3A_411 : memref<1024x32xf32, #tpu.memory_space<hbm>>) target_semaphore(%arg10 : memref<!tpu.dma_semaphore, #tpu.memory_space<semaphore_mem>>)
    %dma_wait3A_416 = arith.constant 1 : i32
    %dma_wait3A_417 = arith.constant 0 : i32
    %dma_wait3A_418 = arith.constant 0 : i32
    %dma_wait3A_419 = tpu.memref_slice %arg6[%dma_wait3A_416, %dma_wait3A_417, %dma_wait3A_418] : memref<2x1024x32xf32, #tpu.memory_space<vmem>> -> memref<1x1024x32xf32, #tpu.memory_space<vmem>>
    %dma_wait3A_420 = tpu.memref_squeeze %dma_wait3A_419 : memref<1x1024x32xf32, #tpu.memory_space<vmem>> -> memref<1024x32xf32, #tpu.memory_space<vmem>>
    %dma_wait3A_421 = arith.constant 0 : i32
    %dma_wait3A_422 = tpu.memref_slice %arg4[%add3A_402, %dma_wait3A_421] : memref<425984x32xf32, #tpu.memory_space<hbm>> -> memref<1024x32xf32, #tpu.memory_space<hbm>>
    %dma_wait3A_423 = arith.constant 0 : i32
    %dma_wait3A_424 = tpu.memref_slice %arg4[%add3A_402, %dma_wait3A_423] : memref<425984x32xf32, #tpu.memory_space<hbm>> -> memref<1024x32xf32, #tpu.memory_space<hbm>>
    %dma_wait3A_425 = arith.constant 0 : i32
    %dma_wait3A_426 = arith.constant 0 : i32
    %dma_wait3A_427 = tpu.memref_slice %arg6[%dma_wait3A_416, %dma_wait3A_425, %dma_wait3A_426] : memref<2x1024x32xf32, #tpu.memory_space<vmem>> -> memref<1x1024x32xf32, #tpu.memory_space<vmem>>
    %dma_wait3A_428 = tpu.memref_squeeze %dma_wait3A_427 : memref<1x1024x32xf32, #tpu.memory_space<vmem>> -> memref<1024x32xf32, #tpu.memory_space<vmem>>
    tpu.wait_dma2 semaphore(%arg10 : memref<!tpu.dma_semaphore, #tpu.memory_space<semaphore_mem>>) src(%dma_wait3A_428 : memref<1024x32xf32, #tpu.memory_space<vmem>>) dst(%dma_wait3A_424 : memref<1024x32xf32, #tpu.memory_space<hbm>>)
    %dma_start3A_429 = arith.constant 9 : i32
    %dma_start3A_430 = arith.constant 1 : i32
    %dma_start3A_431 = arith.constant 0 : i32
    %dma_start3A_432 = arith.constant 0 : i32
    %dma_start3A_433 = tpu.memref_slice %arg6[%dma_start3A_430, %dma_start3A_431, %dma_start3A_432] : memref<2x1024x32xf32, #tpu.memory_space<vmem>> -> memref<1x1024x32xf32, #tpu.memory_space<vmem>>
    %dma_start3A_434 = tpu.memref_squeeze %dma_start3A_433 : memref<1x1024x32xf32, #tpu.memory_space<vmem>> -> memref<1024x32xf32, #tpu.memory_space<vmem>>
    %dma_start3A_435 = arith.constant 0 : i32
    %dma_start3A_436 = tpu.memref_slice %arg5[%dma_start3A_429, %dma_start3A_435] : memref<13x1024xi32, #tpu.memory_space<vmem>> -> memref<1x1024xi32, #tpu.memory_space<vmem>>
    %dma_start3A_437 = tpu.memref_squeeze %dma_start3A_436 : memref<1x1024xi32, #tpu.memory_space<vmem>> -> memref<1024xi32, #tpu.memory_space<vmem>>
    %dma_start3A_438 = arith.constant 0 : i32
    %dma_start3A_439 = arith.constant 0 : i32
    %dma_start3A_440 = tpu.memref_slice %arg3[%dma_start3A_438, %dma_start3A_439] : memref<1000000x32xf32, #tpu.memory_space<hbm>> -> memref<1000000x32xf32, #tpu.memory_space<hbm>>
    tpu.enqueue_indirect_dma source(%dma_start3A_440 : memref<1000000x32xf32, #tpu.memory_space<hbm>>) target(%dma_start3A_434 : memref<1024x32xf32, #tpu.memory_space<vmem>>) offsets(%dma_start3A_437 : memref<1024xi32, #tpu.memory_space<vmem>>) semaphore(%arg8 : memref<!tpu.dma_semaphore, #tpu.memory_space<semaphore_mem>>)
    %dma_wait3A_441 = arith.constant 8 : i32
    %dma_wait3A_442 = arith.constant 0 : i32
    %dma_wait3A_443 = arith.constant 0 : i32
    %dma_wait3A_444 = arith.constant 0 : i32
    %dma_wait3A_445 = tpu.memref_slice %arg6[%dma_wait3A_442, %dma_wait3A_443, %dma_wait3A_444] : memref<2x1024x32xf32, #tpu.memory_space<vmem>> -> memref<1x1024x32xf32, #tpu.memory_space<vmem>>
    %dma_wait3A_446 = tpu.memref_squeeze %dma_wait3A_445 : memref<1x1024x32xf32, #tpu.memory_space<vmem>> -> memref<1024x32xf32, #tpu.memory_space<vmem>>
    %dma_wait3A_447 = arith.constant 0 : i32
    %dma_wait3A_448 = tpu.memref_slice %arg5[%dma_wait3A_441, %dma_wait3A_447] : memref<13x1024xi32, #tpu.memory_space<vmem>> -> memref<1x1024xi32, #tpu.memory_space<vmem>>
    %dma_wait3A_449 = tpu.memref_squeeze %dma_wait3A_448 : memref<1x1024xi32, #tpu.memory_space<vmem>> -> memref<1024xi32, #tpu.memory_space<vmem>>
    %dma_wait3A_450 = arith.constant 0 : i32
    %dma_wait3A_451 = arith.constant 0 : i32
    %dma_wait3A_452 = tpu.memref_slice %arg3[%dma_wait3A_450, %dma_wait3A_451] : memref<1000000x32xf32, #tpu.memory_space<hbm>> -> memref<1000000x32xf32, #tpu.memory_space<hbm>>
    tpu.wait_indirect_dma semaphore(%arg7 : memref<!tpu.dma_semaphore, #tpu.memory_space<semaphore_mem>>) src(%dma_wait3A_452 : memref<1000000x32xf32, #tpu.memory_space<hbm>>) dst(%dma_wait3A_446 : memref<1024x32xf32, #tpu.memory_space<vmem>>)
    %add3A_453 = arith.constant 8192 : i32
    %add3A_454 = arith.addi %mul3A_2, %add3A_453 : i32
    %dma_start3A_455 = arith.constant 0 : i32
    %dma_start3A_456 = arith.constant 0 : i32
    %dma_start3A_457 = arith.constant 0 : i32
    %dma_start3A_458 = tpu.memref_slice %arg6[%dma_start3A_455, %dma_start3A_456, %dma_start3A_457] : memref<2x1024x32xf32, #tpu.memory_space<vmem>> -> memref<1x1024x32xf32, #tpu.memory_space<vmem>>
    %dma_start3A_459 = tpu.memref_squeeze %dma_start3A_458 : memref<1x1024x32xf32, #tpu.memory_space<vmem>> -> memref<1024x32xf32, #tpu.memory_space<vmem>>
    %dma_start3A_460 = arith.constant 0 : i32
    %dma_start3A_461 = tpu.memref_slice %arg4[%add3A_454, %dma_start3A_460] : memref<425984x32xf32, #tpu.memory_space<hbm>> -> memref<1024x32xf32, #tpu.memory_space<hbm>>
    %dma_start3A_462 = arith.constant 0 : i32
    %dma_start3A_463 = tpu.memref_slice %arg4[%add3A_454, %dma_start3A_462] : memref<425984x32xf32, #tpu.memory_space<hbm>> -> memref<1024x32xf32, #tpu.memory_space<hbm>>
    %dma_start3A_464 = arith.constant 0 : i32
    %dma_start3A_465 = arith.constant 0 : i32
    %dma_start3A_466 = tpu.memref_slice %arg6[%dma_start3A_455, %dma_start3A_464, %dma_start3A_465] : memref<2x1024x32xf32, #tpu.memory_space<vmem>> -> memref<1x1024x32xf32, #tpu.memory_space<vmem>>
    %dma_start3A_467 = tpu.memref_squeeze %dma_start3A_466 : memref<1x1024x32xf32, #tpu.memory_space<vmem>> -> memref<1024x32xf32, #tpu.memory_space<vmem>>
    tpu.enqueue_dma source(%dma_start3A_467 : memref<1024x32xf32, #tpu.memory_space<vmem>>) target(%dma_start3A_463 : memref<1024x32xf32, #tpu.memory_space<hbm>>) target_semaphore(%arg9 : memref<!tpu.dma_semaphore, #tpu.memory_space<semaphore_mem>>)
    %dma_wait3A_468 = arith.constant 0 : i32
    %dma_wait3A_469 = arith.constant 0 : i32
    %dma_wait3A_470 = arith.constant 0 : i32
    %dma_wait3A_471 = tpu.memref_slice %arg6[%dma_wait3A_468, %dma_wait3A_469, %dma_wait3A_470] : memref<2x1024x32xf32, #tpu.memory_space<vmem>> -> memref<1x1024x32xf32, #tpu.memory_space<vmem>>
    %dma_wait3A_472 = tpu.memref_squeeze %dma_wait3A_471 : memref<1x1024x32xf32, #tpu.memory_space<vmem>> -> memref<1024x32xf32, #tpu.memory_space<vmem>>
    %dma_wait3A_473 = arith.constant 0 : i32
    %dma_wait3A_474 = tpu.memref_slice %arg4[%add3A_454, %dma_wait3A_473] : memref<425984x32xf32, #tpu.memory_space<hbm>> -> memref<1024x32xf32, #tpu.memory_space<hbm>>
    %dma_wait3A_475 = arith.constant 0 : i32
    %dma_wait3A_476 = tpu.memref_slice %arg4[%add3A_454, %dma_wait3A_475] : memref<425984x32xf32, #tpu.memory_space<hbm>> -> memref<1024x32xf32, #tpu.memory_space<hbm>>
    %dma_wait3A_477 = arith.constant 0 : i32
    %dma_wait3A_478 = arith.constant 0 : i32
    %dma_wait3A_479 = tpu.memref_slice %arg6[%dma_wait3A_468, %dma_wait3A_477, %dma_wait3A_478] : memref<2x1024x32xf32, #tpu.memory_space<vmem>> -> memref<1x1024x32xf32, #tpu.memory_space<vmem>>
    %dma_wait3A_480 = tpu.memref_squeeze %dma_wait3A_479 : memref<1x1024x32xf32, #tpu.memory_space<vmem>> -> memref<1024x32xf32, #tpu.memory_space<vmem>>
    tpu.wait_dma2 semaphore(%arg9 : memref<!tpu.dma_semaphore, #tpu.memory_space<semaphore_mem>>) src(%dma_wait3A_480 : memref<1024x32xf32, #tpu.memory_space<vmem>>) dst(%dma_wait3A_476 : memref<1024x32xf32, #tpu.memory_space<hbm>>)
    %dma_start3A_481 = arith.constant 10 : i32
    %dma_start3A_482 = arith.constant 0 : i32
    %dma_start3A_483 = arith.constant 0 : i32
    %dma_start3A_484 = arith.constant 0 : i32
    %dma_start3A_485 = tpu.memref_slice %arg6[%dma_start3A_482, %dma_start3A_483, %dma_start3A_484] : memref<2x1024x32xf32, #tpu.memory_space<vmem>> -> memref<1x1024x32xf32, #tpu.memory_space<vmem>>
    %dma_start3A_486 = tpu.memref_squeeze %dma_start3A_485 : memref<1x1024x32xf32, #tpu.memory_space<vmem>> -> memref<1024x32xf32, #tpu.memory_space<vmem>>
    %dma_start3A_487 = arith.constant 0 : i32
    %dma_start3A_488 = tpu.memref_slice %arg5[%dma_start3A_481, %dma_start3A_487] : memref<13x1024xi32, #tpu.memory_space<vmem>> -> memref<1x1024xi32, #tpu.memory_space<vmem>>
    %dma_start3A_489 = tpu.memref_squeeze %dma_start3A_488 : memref<1x1024xi32, #tpu.memory_space<vmem>> -> memref<1024xi32, #tpu.memory_space<vmem>>
    %dma_start3A_490 = arith.constant 0 : i32
    %dma_start3A_491 = arith.constant 0 : i32
    %dma_start3A_492 = tpu.memref_slice %arg3[%dma_start3A_490, %dma_start3A_491] : memref<1000000x32xf32, #tpu.memory_space<hbm>> -> memref<1000000x32xf32, #tpu.memory_space<hbm>>
    tpu.enqueue_indirect_dma source(%dma_start3A_492 : memref<1000000x32xf32, #tpu.memory_space<hbm>>) target(%dma_start3A_486 : memref<1024x32xf32, #tpu.memory_space<vmem>>) offsets(%dma_start3A_489 : memref<1024xi32, #tpu.memory_space<vmem>>) semaphore(%arg7 : memref<!tpu.dma_semaphore, #tpu.memory_space<semaphore_mem>>)
    %dma_wait3A_493 = arith.constant 9 : i32
    %dma_wait3A_494 = arith.constant 1 : i32
    %dma_wait3A_495 = arith.constant 0 : i32
    %dma_wait3A_496 = arith.constant 0 : i32
    %dma_wait3A_497 = tpu.memref_slice %arg6[%dma_wait3A_494, %dma_wait3A_495, %dma_wait3A_496] : memref<2x1024x32xf32, #tpu.memory_space<vmem>> -> memref<1x1024x32xf32, #tpu.memory_space<vmem>>
    %dma_wait3A_498 = tpu.memref_squeeze %dma_wait3A_497 : memref<1x1024x32xf32, #tpu.memory_space<vmem>> -> memref<1024x32xf32, #tpu.memory_space<vmem>>
    %dma_wait3A_499 = arith.constant 0 : i32
    %dma_wait3A_500 = tpu.memref_slice %arg5[%dma_wait3A_493, %dma_wait3A_499] : memref<13x1024xi32, #tpu.memory_space<vmem>> -> memref<1x1024xi32, #tpu.memory_space<vmem>>
    %dma_wait3A_501 = tpu.memref_squeeze %dma_wait3A_500 : memref<1x1024xi32, #tpu.memory_space<vmem>> -> memref<1024xi32, #tpu.memory_space<vmem>>
    %dma_wait3A_502 = arith.constant 0 : i32
    %dma_wait3A_503 = arith.constant 0 : i32
    %dma_wait3A_504 = tpu.memref_slice %arg3[%dma_wait3A_502, %dma_wait3A_503] : memref<1000000x32xf32, #tpu.memory_space<hbm>> -> memref<1000000x32xf32, #tpu.memory_space<hbm>>
    tpu.wait_indirect_dma semaphore(%arg8 : memref<!tpu.dma_semaphore, #tpu.memory_space<semaphore_mem>>) src(%dma_wait3A_504 : memref<1000000x32xf32, #tpu.memory_space<hbm>>) dst(%dma_wait3A_498 : memref<1024x32xf32, #tpu.memory_space<vmem>>)
    %add3A_505 = arith.constant 9216 : i32
    %add3A_506 = arith.addi %mul3A_2, %add3A_505 : i32
    %dma_start3A_507 = arith.constant 1 : i32
    %dma_start3A_508 = arith.constant 0 : i32
    %dma_start3A_509 = arith.constant 0 : i32
    %dma_start3A_510 = tpu.memref_slice %arg6[%dma_start3A_507, %dma_start3A_508, %dma_start3A_509] : memref<2x1024x32xf32, #tpu.memory_space<vmem>> -> memref<1x1024x32xf32, #tpu.memory_space<vmem>>
    %dma_start3A_511 = tpu.memref_squeeze %dma_start3A_510 : memref<1x1024x32xf32, #tpu.memory_space<vmem>> -> memref<1024x32xf32, #tpu.memory_space<vmem>>
    %dma_start3A_512 = arith.constant 0 : i32
    %dma_start3A_513 = tpu.memref_slice %arg4[%add3A_506, %dma_start3A_512] : memref<425984x32xf32, #tpu.memory_space<hbm>> -> memref<1024x32xf32, #tpu.memory_space<hbm>>
    %dma_start3A_514 = arith.constant 0 : i32
    %dma_start3A_515 = tpu.memref_slice %arg4[%add3A_506, %dma_start3A_514] : memref<425984x32xf32, #tpu.memory_space<hbm>> -> memref<1024x32xf32, #tpu.memory_space<hbm>>
    %dma_start3A_516 = arith.constant 0 : i32
    %dma_start3A_517 = arith.constant 0 : i32
    %dma_start3A_518 = tpu.memref_slice %arg6[%dma_start3A_507, %dma_start3A_516, %dma_start3A_517] : memref<2x1024x32xf32, #tpu.memory_space<vmem>> -> memref<1x1024x32xf32, #tpu.memory_space<vmem>>
    %dma_start3A_519 = tpu.memref_squeeze %dma_start3A_518 : memref<1x1024x32xf32, #tpu.memory_space<vmem>> -> memref<1024x32xf32, #tpu.memory_space<vmem>>
    tpu.enqueue_dma source(%dma_start3A_519 : memref<1024x32xf32, #tpu.memory_space<vmem>>) target(%dma_start3A_515 : memref<1024x32xf32, #tpu.memory_space<hbm>>) target_semaphore(%arg10 : memref<!tpu.dma_semaphore, #tpu.memory_space<semaphore_mem>>)
    %dma_wait3A_520 = arith.constant 1 : i32
    %dma_wait3A_521 = arith.constant 0 : i32
    %dma_wait3A_522 = arith.constant 0 : i32
    %dma_wait3A_523 = tpu.memref_slice %arg6[%dma_wait3A_520, %dma_wait3A_521, %dma_wait3A_522] : memref<2x1024x32xf32, #tpu.memory_space<vmem>> -> memref<1x1024x32xf32, #tpu.memory_space<vmem>>
    %dma_wait3A_524 = tpu.memref_squeeze %dma_wait3A_523 : memref<1x1024x32xf32, #tpu.memory_space<vmem>> -> memref<1024x32xf32, #tpu.memory_space<vmem>>
    %dma_wait3A_525 = arith.constant 0 : i32
    %dma_wait3A_526 = tpu.memref_slice %arg4[%add3A_506, %dma_wait3A_525] : memref<425984x32xf32, #tpu.memory_space<hbm>> -> memref<1024x32xf32, #tpu.memory_space<hbm>>
    %dma_wait3A_527 = arith.constant 0 : i32
    %dma_wait3A_528 = tpu.memref_slice %arg4[%add3A_506, %dma_wait3A_527] : memref<425984x32xf32, #tpu.memory_space<hbm>> -> memref<1024x32xf32, #tpu.memory_space<hbm>>
    %dma_wait3A_529 = arith.constant 0 : i32
    %dma_wait3A_530 = arith.constant 0 : i32
    %dma_wait3A_531 = tpu.memref_slice %arg6[%dma_wait3A_520, %dma_wait3A_529, %dma_wait3A_530] : memref<2x1024x32xf32, #tpu.memory_space<vmem>> -> memref<1x1024x32xf32, #tpu.memory_space<vmem>>
    %dma_wait3A_532 = tpu.memref_squeeze %dma_wait3A_531 : memref<1x1024x32xf32, #tpu.memory_space<vmem>> -> memref<1024x32xf32, #tpu.memory_space<vmem>>
    tpu.wait_dma2 semaphore(%arg10 : memref<!tpu.dma_semaphore, #tpu.memory_space<semaphore_mem>>) src(%dma_wait3A_532 : memref<1024x32xf32, #tpu.memory_space<vmem>>) dst(%dma_wait3A_528 : memref<1024x32xf32, #tpu.memory_space<hbm>>)
    %dma_start3A_533 = arith.constant 11 : i32
    %dma_start3A_534 = arith.constant 1 : i32
    %dma_start3A_535 = arith.constant 0 : i32
    %dma_start3A_536 = arith.constant 0 : i32
    %dma_start3A_537 = tpu.memref_slice %arg6[%dma_start3A_534, %dma_start3A_535, %dma_start3A_536] : memref<2x1024x32xf32, #tpu.memory_space<vmem>> -> memref<1x1024x32xf32, #tpu.memory_space<vmem>>
    %dma_start3A_538 = tpu.memref_squeeze %dma_start3A_537 : memref<1x1024x32xf32, #tpu.memory_space<vmem>> -> memref<1024x32xf32, #tpu.memory_space<vmem>>
    %dma_start3A_539 = arith.constant 0 : i32
    %dma_start3A_540 = tpu.memref_slice %arg5[%dma_start3A_533, %dma_start3A_539] : memref<13x1024xi32, #tpu.memory_space<vmem>> -> memref<1x1024xi32, #tpu.memory_space<vmem>>
    %dma_start3A_541 = tpu.memref_squeeze %dma_start3A_540 : memref<1x1024xi32, #tpu.memory_space<vmem>> -> memref<1024xi32, #tpu.memory_space<vmem>>
    %dma_start3A_542 = arith.constant 0 : i32
    %dma_start3A_543 = arith.constant 0 : i32
    %dma_start3A_544 = tpu.memref_slice %arg3[%dma_start3A_542, %dma_start3A_543] : memref<1000000x32xf32, #tpu.memory_space<hbm>> -> memref<1000000x32xf32, #tpu.memory_space<hbm>>
    tpu.enqueue_indirect_dma source(%dma_start3A_544 : memref<1000000x32xf32, #tpu.memory_space<hbm>>) target(%dma_start3A_538 : memref<1024x32xf32, #tpu.memory_space<vmem>>) offsets(%dma_start3A_541 : memref<1024xi32, #tpu.memory_space<vmem>>) semaphore(%arg8 : memref<!tpu.dma_semaphore, #tpu.memory_space<semaphore_mem>>)
    %dma_wait3A_545 = arith.constant 10 : i32
    %dma_wait3A_546 = arith.constant 0 : i32
    %dma_wait3A_547 = arith.constant 0 : i32
    %dma_wait3A_548 = arith.constant 0 : i32
    %dma_wait3A_549 = tpu.memref_slice %arg6[%dma_wait3A_546, %dma_wait3A_547, %dma_wait3A_548] : memref<2x1024x32xf32, #tpu.memory_space<vmem>> -> memref<1x1024x32xf32, #tpu.memory_space<vmem>>
    %dma_wait3A_550 = tpu.memref_squeeze %dma_wait3A_549 : memref<1x1024x32xf32, #tpu.memory_space<vmem>> -> memref<1024x32xf32, #tpu.memory_space<vmem>>
    %dma_wait3A_551 = arith.constant 0 : i32
    %dma_wait3A_552 = tpu.memref_slice %arg5[%dma_wait3A_545, %dma_wait3A_551] : memref<13x1024xi32, #tpu.memory_space<vmem>> -> memref<1x1024xi32, #tpu.memory_space<vmem>>
    %dma_wait3A_553 = tpu.memref_squeeze %dma_wait3A_552 : memref<1x1024xi32, #tpu.memory_space<vmem>> -> memref<1024xi32, #tpu.memory_space<vmem>>
    %dma_wait3A_554 = arith.constant 0 : i32
    %dma_wait3A_555 = arith.constant 0 : i32
    %dma_wait3A_556 = tpu.memref_slice %arg3[%dma_wait3A_554, %dma_wait3A_555] : memref<1000000x32xf32, #tpu.memory_space<hbm>> -> memref<1000000x32xf32, #tpu.memory_space<hbm>>
    tpu.wait_indirect_dma semaphore(%arg7 : memref<!tpu.dma_semaphore, #tpu.memory_space<semaphore_mem>>) src(%dma_wait3A_556 : memref<1000000x32xf32, #tpu.memory_space<hbm>>) dst(%dma_wait3A_550 : memref<1024x32xf32, #tpu.memory_space<vmem>>)
    %add3A_557 = arith.constant 10240 : i32
    %add3A_558 = arith.addi %mul3A_2, %add3A_557 : i32
    %dma_start3A_559 = arith.constant 0 : i32
    %dma_start3A_560 = arith.constant 0 : i32
    %dma_start3A_561 = arith.constant 0 : i32
    %dma_start3A_562 = tpu.memref_slice %arg6[%dma_start3A_559, %dma_start3A_560, %dma_start3A_561] : memref<2x1024x32xf32, #tpu.memory_space<vmem>> -> memref<1x1024x32xf32, #tpu.memory_space<vmem>>
    %dma_start3A_563 = tpu.memref_squeeze %dma_start3A_562 : memref<1x1024x32xf32, #tpu.memory_space<vmem>> -> memref<1024x32xf32, #tpu.memory_space<vmem>>
    %dma_start3A_564 = arith.constant 0 : i32
    %dma_start3A_565 = tpu.memref_slice %arg4[%add3A_558, %dma_start3A_564] : memref<425984x32xf32, #tpu.memory_space<hbm>> -> memref<1024x32xf32, #tpu.memory_space<hbm>>
    %dma_start3A_566 = arith.constant 0 : i32
    %dma_start3A_567 = tpu.memref_slice %arg4[%add3A_558, %dma_start3A_566] : memref<425984x32xf32, #tpu.memory_space<hbm>> -> memref<1024x32xf32, #tpu.memory_space<hbm>>
    %dma_start3A_568 = arith.constant 0 : i32
    %dma_start3A_569 = arith.constant 0 : i32
    %dma_start3A_570 = tpu.memref_slice %arg6[%dma_start3A_559, %dma_start3A_568, %dma_start3A_569] : memref<2x1024x32xf32, #tpu.memory_space<vmem>> -> memref<1x1024x32xf32, #tpu.memory_space<vmem>>
    %dma_start3A_571 = tpu.memref_squeeze %dma_start3A_570 : memref<1x1024x32xf32, #tpu.memory_space<vmem>> -> memref<1024x32xf32, #tpu.memory_space<vmem>>
    tpu.enqueue_dma source(%dma_start3A_571 : memref<1024x32xf32, #tpu.memory_space<vmem>>) target(%dma_start3A_567 : memref<1024x32xf32, #tpu.memory_space<hbm>>) target_semaphore(%arg9 : memref<!tpu.dma_semaphore, #tpu.memory_space<semaphore_mem>>)
    %dma_wait3A_572 = arith.constant 0 : i32
    %dma_wait3A_573 = arith.constant 0 : i32
    %dma_wait3A_574 = arith.constant 0 : i32
    %dma_wait3A_575 = tpu.memref_slice %arg6[%dma_wait3A_572, %dma_wait3A_573, %dma_wait3A_574] : memref<2x1024x32xf32, #tpu.memory_space<vmem>> -> memref<1x1024x32xf32, #tpu.memory_space<vmem>>
    %dma_wait3A_576 = tpu.memref_squeeze %dma_wait3A_575 : memref<1x1024x32xf32, #tpu.memory_space<vmem>> -> memref<1024x32xf32, #tpu.memory_space<vmem>>
    %dma_wait3A_577 = arith.constant 0 : i32
    %dma_wait3A_578 = tpu.memref_slice %arg4[%add3A_558, %dma_wait3A_577] : memref<425984x32xf32, #tpu.memory_space<hbm>> -> memref<1024x32xf32, #tpu.memory_space<hbm>>
    %dma_wait3A_579 = arith.constant 0 : i32
    %dma_wait3A_580 = tpu.memref_slice %arg4[%add3A_558, %dma_wait3A_579] : memref<425984x32xf32, #tpu.memory_space<hbm>> -> memref<1024x32xf32, #tpu.memory_space<hbm>>
    %dma_wait3A_581 = arith.constant 0 : i32
    %dma_wait3A_582 = arith.constant 0 : i32
    %dma_wait3A_583 = tpu.memref_slice %arg6[%dma_wait3A_572, %dma_wait3A_581, %dma_wait3A_582] : memref<2x1024x32xf32, #tpu.memory_space<vmem>> -> memref<1x1024x32xf32, #tpu.memory_space<vmem>>
    %dma_wait3A_584 = tpu.memref_squeeze %dma_wait3A_583 : memref<1x1024x32xf32, #tpu.memory_space<vmem>> -> memref<1024x32xf32, #tpu.memory_space<vmem>>
    tpu.wait_dma2 semaphore(%arg9 : memref<!tpu.dma_semaphore, #tpu.memory_space<semaphore_mem>>) src(%dma_wait3A_584 : memref<1024x32xf32, #tpu.memory_space<vmem>>) dst(%dma_wait3A_580 : memref<1024x32xf32, #tpu.memory_space<hbm>>)
    %dma_start3A_585 = arith.constant 12 : i32
    %dma_start3A_586 = arith.constant 0 : i32
    %dma_start3A_587 = arith.constant 0 : i32
    %dma_start3A_588 = arith.constant 0 : i32
    %dma_start3A_589 = tpu.memref_slice %arg6[%dma_start3A_586, %dma_start3A_587, %dma_start3A_588] : memref<2x1024x32xf32, #tpu.memory_space<vmem>> -> memref<1x1024x32xf32, #tpu.memory_space<vmem>>
    %dma_start3A_590 = tpu.memref_squeeze %dma_start3A_589 : memref<1x1024x32xf32, #tpu.memory_space<vmem>> -> memref<1024x32xf32, #tpu.memory_space<vmem>>
    %dma_start3A_591 = arith.constant 0 : i32
    %dma_start3A_592 = tpu.memref_slice %arg5[%dma_start3A_585, %dma_start3A_591] : memref<13x1024xi32, #tpu.memory_space<vmem>> -> memref<1x1024xi32, #tpu.memory_space<vmem>>
    %dma_start3A_593 = tpu.memref_squeeze %dma_start3A_592 : memref<1x1024xi32, #tpu.memory_space<vmem>> -> memref<1024xi32, #tpu.memory_space<vmem>>
    %dma_start3A_594 = arith.constant 0 : i32
    %dma_start3A_595 = arith.constant 0 : i32
    %dma_start3A_596 = tpu.memref_slice %arg3[%dma_start3A_594, %dma_start3A_595] : memref<1000000x32xf32, #tpu.memory_space<hbm>> -> memref<1000000x32xf32, #tpu.memory_space<hbm>>
    tpu.enqueue_indirect_dma source(%dma_start3A_596 : memref<1000000x32xf32, #tpu.memory_space<hbm>>) target(%dma_start3A_590 : memref<1024x32xf32, #tpu.memory_space<vmem>>) offsets(%dma_start3A_593 : memref<1024xi32, #tpu.memory_space<vmem>>) semaphore(%arg7 : memref<!tpu.dma_semaphore, #tpu.memory_space<semaphore_mem>>)
    %dma_wait3A_597 = arith.constant 11 : i32
    %dma_wait3A_598 = arith.constant 1 : i32
    %dma_wait3A_599 = arith.constant 0 : i32
    %dma_wait3A_600 = arith.constant 0 : i32
    %dma_wait3A_601 = tpu.memref_slice %arg6[%dma_wait3A_598, %dma_wait3A_599, %dma_wait3A_600] : memref<2x1024x32xf32, #tpu.memory_space<vmem>> -> memref<1x1024x32xf32, #tpu.memory_space<vmem>>
    %dma_wait3A_602 = tpu.memref_squeeze %dma_wait3A_601 : memref<1x1024x32xf32, #tpu.memory_space<vmem>> -> memref<1024x32xf32, #tpu.memory_space<vmem>>
    %dma_wait3A_603 = arith.constant 0 : i32
    %dma_wait3A_604 = tpu.memref_slice %arg5[%dma_wait3A_597, %dma_wait3A_603] : memref<13x1024xi32, #tpu.memory_space<vmem>> -> memref<1x1024xi32, #tpu.memory_space<vmem>>
    %dma_wait3A_605 = tpu.memref_squeeze %dma_wait3A_604 : memref<1x1024xi32, #tpu.memory_space<vmem>> -> memref<1024xi32, #tpu.memory_space<vmem>>
    %dma_wait3A_606 = arith.constant 0 : i32
    %dma_wait3A_607 = arith.constant 0 : i32
    %dma_wait3A_608 = tpu.memref_slice %arg3[%dma_wait3A_606, %dma_wait3A_607] : memref<1000000x32xf32, #tpu.memory_space<hbm>> -> memref<1000000x32xf32, #tpu.memory_space<hbm>>
    tpu.wait_indirect_dma semaphore(%arg8 : memref<!tpu.dma_semaphore, #tpu.memory_space<semaphore_mem>>) src(%dma_wait3A_608 : memref<1000000x32xf32, #tpu.memory_space<hbm>>) dst(%dma_wait3A_602 : memref<1024x32xf32, #tpu.memory_space<vmem>>)
    %add3A_609 = arith.constant 11264 : i32
    %add3A_610 = arith.addi %mul3A_2, %add3A_609 : i32
    %dma_start3A_611 = arith.constant 1 : i32
    %dma_start3A_612 = arith.constant 0 : i32
    %dma_start3A_613 = arith.constant 0 : i32
    %dma_start3A_614 = tpu.memref_slice %arg6[%dma_start3A_611, %dma_start3A_612, %dma_start3A_613] : memref<2x1024x32xf32, #tpu.memory_space<vmem>> -> memref<1x1024x32xf32, #tpu.memory_space<vmem>>
    %dma_start3A_615 = tpu.memref_squeeze %dma_start3A_614 : memref<1x1024x32xf32, #tpu.memory_space<vmem>> -> memref<1024x32xf32, #tpu.memory_space<vmem>>
    %dma_start3A_616 = arith.constant 0 : i32
    %dma_start3A_617 = tpu.memref_slice %arg4[%add3A_610, %dma_start3A_616] : memref<425984x32xf32, #tpu.memory_space<hbm>> -> memref<1024x32xf32, #tpu.memory_space<hbm>>
    %dma_start3A_618 = arith.constant 0 : i32
    %dma_start3A_619 = tpu.memref_slice %arg4[%add3A_610, %dma_start3A_618] : memref<425984x32xf32, #tpu.memory_space<hbm>> -> memref<1024x32xf32, #tpu.memory_space<hbm>>
    %dma_start3A_620 = arith.constant 0 : i32
    %dma_start3A_621 = arith.constant 0 : i32
    %dma_start3A_622 = tpu.memref_slice %arg6[%dma_start3A_611, %dma_start3A_620, %dma_start3A_621] : memref<2x1024x32xf32, #tpu.memory_space<vmem>> -> memref<1x1024x32xf32, #tpu.memory_space<vmem>>
    %dma_start3A_623 = tpu.memref_squeeze %dma_start3A_622 : memref<1x1024x32xf32, #tpu.memory_space<vmem>> -> memref<1024x32xf32, #tpu.memory_space<vmem>>
    tpu.enqueue_dma source(%dma_start3A_623 : memref<1024x32xf32, #tpu.memory_space<vmem>>) target(%dma_start3A_619 : memref<1024x32xf32, #tpu.memory_space<hbm>>) target_semaphore(%arg10 : memref<!tpu.dma_semaphore, #tpu.memory_space<semaphore_mem>>)
    %dma_wait3A_624 = arith.constant 12 : i32
    %dma_wait3A_625 = arith.constant 0 : i32
    %dma_wait3A_626 = arith.constant 0 : i32
    %dma_wait3A_627 = arith.constant 0 : i32
    %dma_wait3A_628 = tpu.memref_slice %arg6[%dma_wait3A_625, %dma_wait3A_626, %dma_wait3A_627] : memref<2x1024x32xf32, #tpu.memory_space<vmem>> -> memref<1x1024x32xf32, #tpu.memory_space<vmem>>
    %dma_wait3A_629 = tpu.memref_squeeze %dma_wait3A_628 : memref<1x1024x32xf32, #tpu.memory_space<vmem>> -> memref<1024x32xf32, #tpu.memory_space<vmem>>
    %dma_wait3A_630 = arith.constant 0 : i32
    %dma_wait3A_631 = tpu.memref_slice %arg5[%dma_wait3A_624, %dma_wait3A_630] : memref<13x1024xi32, #tpu.memory_space<vmem>> -> memref<1x1024xi32, #tpu.memory_space<vmem>>
    %dma_wait3A_632 = tpu.memref_squeeze %dma_wait3A_631 : memref<1x1024xi32, #tpu.memory_space<vmem>> -> memref<1024xi32, #tpu.memory_space<vmem>>
    %dma_wait3A_633 = arith.constant 0 : i32
    %dma_wait3A_634 = arith.constant 0 : i32
    %dma_wait3A_635 = tpu.memref_slice %arg3[%dma_wait3A_633, %dma_wait3A_634] : memref<1000000x32xf32, #tpu.memory_space<hbm>> -> memref<1000000x32xf32, #tpu.memory_space<hbm>>
    tpu.wait_indirect_dma semaphore(%arg7 : memref<!tpu.dma_semaphore, #tpu.memory_space<semaphore_mem>>) src(%dma_wait3A_635 : memref<1000000x32xf32, #tpu.memory_space<hbm>>) dst(%dma_wait3A_629 : memref<1024x32xf32, #tpu.memory_space<vmem>>)
    %add3A_636 = arith.constant 12288 : i32
    %add3A_637 = arith.addi %mul3A_2, %add3A_636 : i32
    %dma_start3A_638 = arith.constant 0 : i32
    %dma_start3A_639 = arith.constant 0 : i32
    %dma_start3A_640 = arith.constant 0 : i32
    %dma_start3A_641 = tpu.memref_slice %arg6[%dma_start3A_638, %dma_start3A_639, %dma_start3A_640] : memref<2x1024x32xf32, #tpu.memory_space<vmem>> -> memref<1x1024x32xf32, #tpu.memory_space<vmem>>
    %dma_start3A_642 = tpu.memref_squeeze %dma_start3A_641 : memref<1x1024x32xf32, #tpu.memory_space<vmem>> -> memref<1024x32xf32, #tpu.memory_space<vmem>>
    %dma_start3A_643 = arith.constant 0 : i32
    %dma_start3A_644 = tpu.memref_slice %arg4[%add3A_637, %dma_start3A_643] : memref<425984x32xf32, #tpu.memory_space<hbm>> -> memref<1024x32xf32, #tpu.memory_space<hbm>>
    %dma_start3A_645 = arith.constant 0 : i32
    %dma_start3A_646 = tpu.memref_slice %arg4[%add3A_637, %dma_start3A_645] : memref<425984x32xf32, #tpu.memory_space<hbm>> -> memref<1024x32xf32, #tpu.memory_space<hbm>>
    %dma_start3A_647 = arith.constant 0 : i32
    %dma_start3A_648 = arith.constant 0 : i32
    %dma_start3A_649 = tpu.memref_slice %arg6[%dma_start3A_638, %dma_start3A_647, %dma_start3A_648] : memref<2x1024x32xf32, #tpu.memory_space<vmem>> -> memref<1x1024x32xf32, #tpu.memory_space<vmem>>
    %dma_start3A_650 = tpu.memref_squeeze %dma_start3A_649 : memref<1x1024x32xf32, #tpu.memory_space<vmem>> -> memref<1024x32xf32, #tpu.memory_space<vmem>>
    tpu.enqueue_dma source(%dma_start3A_650 : memref<1024x32xf32, #tpu.memory_space<vmem>>) target(%dma_start3A_646 : memref<1024x32xf32, #tpu.memory_space<hbm>>) target_semaphore(%arg9 : memref<!tpu.dma_semaphore, #tpu.memory_space<semaphore_mem>>)
    %dma_wait3A_651 = arith.constant 0 : i32
    %dma_wait3A_652 = arith.constant 0 : i32
    %dma_wait3A_653 = arith.constant 0 : i32
    %dma_wait3A_654 = tpu.memref_slice %arg6[%dma_wait3A_651, %dma_wait3A_652, %dma_wait3A_653] : memref<2x1024x32xf32, #tpu.memory_space<vmem>> -> memref<1x1024x32xf32, #tpu.memory_space<vmem>>
    %dma_wait3A_655 = tpu.memref_squeeze %dma_wait3A_654 : memref<1x1024x32xf32, #tpu.memory_space<vmem>> -> memref<1024x32xf32, #tpu.memory_space<vmem>>
    %dma_wait3A_656 = arith.constant 0 : i32
    %dma_wait3A_657 = tpu.memref_slice %arg4[%add3A_637, %dma_wait3A_656] : memref<425984x32xf32, #tpu.memory_space<hbm>> -> memref<1024x32xf32, #tpu.memory_space<hbm>>
    %dma_wait3A_658 = arith.constant 0 : i32
    %dma_wait3A_659 = tpu.memref_slice %arg4[%add3A_637, %dma_wait3A_658] : memref<425984x32xf32, #tpu.memory_space<hbm>> -> memref<1024x32xf32, #tpu.memory_space<hbm>>
    %dma_wait3A_660 = arith.constant 0 : i32
    %dma_wait3A_661 = arith.constant 0 : i32
    %dma_wait3A_662 = tpu.memref_slice %arg6[%dma_wait3A_651, %dma_wait3A_660, %dma_wait3A_661] : memref<2x1024x32xf32, #tpu.memory_space<vmem>> -> memref<1x1024x32xf32, #tpu.memory_space<vmem>>
    %dma_wait3A_663 = tpu.memref_squeeze %dma_wait3A_662 : memref<1x1024x32xf32, #tpu.memory_space<vmem>> -> memref<1024x32xf32, #tpu.memory_space<vmem>>
    tpu.wait_dma2 semaphore(%arg9 : memref<!tpu.dma_semaphore, #tpu.memory_space<semaphore_mem>>) src(%dma_wait3A_663 : memref<1024x32xf32, #tpu.memory_space<vmem>>) dst(%dma_wait3A_659 : memref<1024x32xf32, #tpu.memory_space<hbm>>)
    %dma_wait3A_664 = arith.constant 1 : i32
    %dma_wait3A_665 = arith.constant 0 : i32
    %dma_wait3A_666 = arith.constant 0 : i32
    %dma_wait3A_667 = tpu.memref_slice %arg6[%dma_wait3A_664, %dma_wait3A_665, %dma_wait3A_666] : memref<2x1024x32xf32, #tpu.memory_space<vmem>> -> memref<1x1024x32xf32, #tpu.memory_space<vmem>>
    %dma_wait3A_668 = tpu.memref_squeeze %dma_wait3A_667 : memref<1x1024x32xf32, #tpu.memory_space<vmem>> -> memref<1024x32xf32, #tpu.memory_space<vmem>>
    %dma_wait3A_669 = arith.constant 0 : i32
    %dma_wait3A_670 = tpu.memref_slice %arg4[%add3A_610, %dma_wait3A_669] : memref<425984x32xf32, #tpu.memory_space<hbm>> -> memref<1024x32xf32, #tpu.memory_space<hbm>>
    %dma_wait3A_671 = arith.constant 0 : i32
    %dma_wait3A_672 = tpu.memref_slice %arg4[%add3A_610, %dma_wait3A_671] : memref<425984x32xf32, #tpu.memory_space<hbm>> -> memref<1024x32xf32, #tpu.memory_space<hbm>>
    %dma_wait3A_673 = arith.constant 0 : i32
    %dma_wait3A_674 = arith.constant 0 : i32
    %dma_wait3A_675 = tpu.memref_slice %arg6[%dma_wait3A_664, %dma_wait3A_673, %dma_wait3A_674] : memref<2x1024x32xf32, #tpu.memory_space<vmem>> -> memref<1x1024x32xf32, #tpu.memory_space<vmem>>
    %dma_wait3A_676 = tpu.memref_squeeze %dma_wait3A_675 : memref<1x1024x32xf32, #tpu.memory_space<vmem>> -> memref<1024x32xf32, #tpu.memory_space<vmem>>
    tpu.wait_dma2 semaphore(%arg10 : memref<!tpu.dma_semaphore, #tpu.memory_space<semaphore_mem>>) src(%dma_wait3A_676 : memref<1024x32xf32, #tpu.memory_space<vmem>>) dst(%dma_wait3A_672 : memref<1024x32xf32, #tpu.memory_space<hbm>>)
    return
  }
}

</mosaic_0001>

<sc_bundles>
// kernel: kernel.3.cloned.1.call-start
scs
__scs_entry_jumppad:
0x0: {  	(pc) =	sbr.rel $0x88, $3  }
0x1: {  	(tag) =	ssettag $0x0;
	lr =	simm.s32 $0x1  }
0x2: {  	[smem:$0x3F9F] =	sst lr;
	_ =	strace $0xD0000000  }
0x3: {  	_ = 	snop  }
0x4: {  	_ = 	snop  }
0x5: {  	_ = 	snop  }
0x6: {  	_ = 	snop  }
0x7: {  	_ = 	snop  }
__scs_overlays_trampoline_lowered:
0x8: {  	[smem:$0x3FAE] =	sst s0  }
0x9: {  	[smem:$0x3FAF] =	sst s1  }
0xa: {  	[smem:$0x3FB0] =	sst s2  }
0xb: {  	[smem:$0x3FB1] =	sst s3  }
0xc: {  	[smem:$0x3FB2] =	sst s4  }
0xd: {  	[smem:$0x3FB3] =	sst s5  }
0xe: {  	[smem:$0x3FB4] =	sst s6  }
0xf: {  	[smem:$0x3FB5] =	sst s7  }
0x10: {  	[smem:$0x3FB6] =	sst s8  }
0x11: {  	[smem:$0x3FB7] =	sst s9;
	s0 =	simm.s32 @!p0 $0x0  }
0x12: {  	s1 =	sld [smem:$0x3F9D];
	s0 =	simm.s32 @p0 $0x1  }
0x13: {  	[smem:$0x3FB8] =	sst s0;
	s0 =	simm.s32 @!p1 $0x0  }
0x14: {  	s2 =	sld [smem:$0x3F9C];
	s0 =	simm.s32 @p1 $0x1  }
0x15: {  	[smem:$0x3FB9] =	sst s0;
	s0 =	simm.s32 @!p2 $0x0  }
0x16: {  	s3 =	sld [smem:$0x3FDB];
	s0 =	simm.s32 @p2 $0x1  }
0x17: {  	s4 =	simm.s32 $0x1BF5;
	[smem:$0x3FBB] =	sst s0  }
0x18: {  	s0 =	sld [smem:$0x3F9E];
	_ =	swait.ge [sflag:s4], $0x0  }
0x19: {  	s7 =	sld [smem:$0x3F9F]  }
0x1a: {  	s8 =	sadd.s32 $0xFFFFE003, lr  }
0x1b: {  	s9 =	sadd.s32 $0xFFFFFEF7, lr;
	s5 =	simm.s32 $0xFFFFFFFF;
	p2 =	slt.u32 s8, $0xFFFFF086  }
0x1c: {  	p1 =	slt.u32 s9, $0xF7A;
	s5 =	simm.s32 @!p2 $0x0  }
0x1d: {  	s5 =	simm.s32 @p1 $0x1;
	p0 =	seq.s32 s7, s2  }
0x1e: {  	s7 =	smul.u32 @!p0 $0xF7A, s2;
	p2 =	seq.s32 @!p0 s5, $0x0  }
0x1f: {  	s9 =	smul.u32 $0xF7A, s1;
	s8 =	simm.s32 @!p0 $0x1BF5;
	p2 =	por !p2, p0  }
0x20: {  	[sflag:s8] =	ssyncset.s32 @!p0 $0xFFFFF086;
	s6 =	sadd.s32 @!p0 s3, s7;
	s7 =	simm.s32 @!p0 $0x108  }
0x21: {  	s3 =	sadd.s32 s3, s9;
	s6 =	sadd.s32 @!p0 $0x88, s6;
	s7 =	simm.s32 @p2 $0x1082  }
0x22: {  	[simem:s7], [sflag:s8] =	dma.local @!p0 [hbm:s6], $0xF7A  }
0x23: {  	s9 =	sor.u32 $0xD0000000, s2;
	s6 =	simm.s32 $0x108;
	_ =	swait.ge @!p0 [sflag:s8], $0x0  }
0x24: {  	s3 =	sadd.s32 $0x88, s3;
	s6 =	simm.s32 @!p1 $0x1082;
	[sflag:s4] =	ssyncset.s32 $0xFFFFF086  }
0x25: {  	[simem:s6], [sflag:s4] =	dma.local [hbm:s3], $0xF7A  }
0x26: {  	[smem:$0x3F9F] =	sst s1;
	(tag) =	ssettag s2;
	_ =	strace s9  }
0x27: {  	s1 =	sld [smem:$0x3FAF]  }
0x28: {  	s2 =	sld [smem:$0x3FB0]  }
0x29: {  	s4 =	sld [smem:$0x3FB2]  }
0x2a: {  	p0 =	seq.s32 s5, $0x0;
	s5 =	sld [smem:$0x3FB3]  }
0x2b: {  	s6 =	sld [smem:$0x3FB4]  }
0x2c: {  	s7 =	sld [smem:$0x3FB5]  }
0x2d: {  	s3 =	simm.s32 $0x108;
	s8 =	sld [smem:$0x3FB6]  }
0x2e: {  	s3 =	simm.s32 @!p0 $0x1082;
	s9 =	sld [smem:$0x3FB7]  }
0x2f: {  	lr =	sadd.s32 s0, s3;
	s0 =	sld [smem:$0x3FAE]  }
0x30: {  	s3 =	sld [smem:$0x3FB1]  }
0x31: {  	[smem:$0x3FBA] =	sst s10  }
0x32: {  	s10 =	sld [smem:$0x3FB8];
	_ =	sdelay $0x3  }
0x33: {  	p0 =	seq.s32 s10, $0x1;
	s10 =	sld [smem:$0x3FBA];
	_ =	sdelay $0x3  }
0x34: {  	[smem:$0x3FBA] =	sst s10  }
0x35: {  	s10 =	sld [smem:$0x3FB9];
	_ =	sdelay $0x3  }
0x36: {  	p1 =	seq.s32 s10, $0x1;
	s10 =	sld [smem:$0x3FBA];
	_ =	sdelay $0x3  }
0x37: {  	[smem:$0x3FBA] =	sst s10  }
0x38: {  	s10 =	sld [smem:$0x3FBB]  }
0x39: {  	_ = 	snop;
	(pc) =	sbr.ind lr, $3  }
0x3a: {  	_ = 	snop  }
0x3b: {  	_ = 	snop  }
0x3c: {  	p2 =	seq.s32 s10, $0x1;
	s10 =	sld [smem:$0x3FBA]  }
0x3d: {  	_ =	shalt  }
0x3e: {  	_ =	shalt  }
0x3f: {  	_ =	shalt  }
0x40: {  	_ =	shalt  }
0x41: {  	_ =	shalt  }
0x42: {  	_ =	shalt  }
0x43: {  	_ =	shalt  }
0x44: {  	_ =	shalt  }
0x45: {  	_ =	shalt  }
0x46: {  	_ =	shalt  }
0x47: {  	_ =	shalt  }
0x48: {  	_ =	shalt  }
0x49: {  	_ =	shalt  }
0x4a: {  	_ =	shalt  }
0x4b: {  	_ =	shalt  }
0x4c: {  	_ =	shalt  }
0x4d: {  	_ =	shalt  }
0x4e: {  	_ =	shalt  }
0x4f: {  	_ =	shalt  }
0x50: {  	_ =	shalt  }
0x51: {  	_ =	shalt  }
0x52: {  	_ =	shalt  }
0x53: {  	_ =	shalt  }
0x54: {  	_ =	shalt  }
0x55: {  	_ =	shalt  }
0x56: {  	_ =	shalt  }
0x57: {  	_ =	shalt  }
0x58: {  	_ =	shalt  }
0x59: {  	_ =	shalt  }
0x5a: {  	_ =	shalt  }
0x5b: {  	_ =	shalt  }
0x5c: {  	_ =	shalt  }
0x5d: {  	_ =	shalt  }
0x5e: {  	_ =	shalt  }
0x5f: {  	_ =	shalt  }
0x60: {  	_ =	shalt  }
0x61: {  	_ =	shalt  }
0x62: {  	_ =	shalt  }
0x63: {  	_ =	shalt  }
0x64: {  	_ =	shalt  }
0x65: {  	_ =	shalt  }
0x66: {  	_ =	shalt  }
0x67: {  	_ =	shalt  }
0x68: {  	_ =	shalt  }
0x69: {  	_ =	shalt  }
0x6a: {  	_ =	shalt  }
0x6b: {  	_ =	shalt  }
0x6c: {  	_ =	shalt  }
0x6d: {  	_ =	shalt  }
0x6e: {  	_ =	shalt  }
0x6f: {  	_ =	shalt  }
0x70: {  	_ =	shalt  }
0x71: {  	_ =	shalt  }
0x72: {  	_ =	shalt  }
0x73: {  	_ =	shalt  }
0x74: {  	_ =	shalt  }
0x75: {  	_ =	shalt  }
0x76: {  	_ =	shalt  }
0x77: {  	_ =	shalt  }
0x78: {  	_ =	shalt  }
0x79: {  	_ =	shalt  }
0x7a: {  	_ =	shalt  }
0x7b: {  	_ =	shalt  }
0x7c: {  	_ =	shalt  }
0x7d: {  	_ =	shalt  }
0x7e: {  	_ =	shalt  }
0x7f: {  	_ =	shalt  }
0x80: {  	_ =	shalt  }
0x81: {  	_ =	shalt  }
0x82: {  	_ =	shalt  }
0x83: {  	_ =	shalt  }
0x84: {  	_ =	shalt  }
0x85: {  	_ =	shalt  }
0x86: {  	_ =	shalt  }
0x87: {  	_ =	shalt  }
.Lfunc_end0:
.L_simem_size_0:
called_computation.1_lowered:
.L_overlay_start_0:
0x88: {  	s2 =	sld [smem:$0x3FD9]  }
0x89: {  	s3 =	sld [smem:$0x3FFE];
	_ =	sdelay $0x1  }
0x8a: {  	s1 =	srdreg.scid  }
0x8b: {  	s0 =	sand.u32 $0x1, s1  }
0x8c: {  	s17 =	sshll.u32 s0, $0xA;
	s2 =	sadd.s32 s3, s2  }
0x8d: {  	s2 =	sadd.s32 s2, s17  }
0x8e: {  	[smem:$0x3FC6] =	sst s2  }
0x8f: {  	_ = 	snop  }
0x90: {  	s2 =	sld [smem:$0x3FD0];
	(tm) =	ssettm $0x1  }
0x91: {  	s18 =	sld [smem:$0x3FFB];
	_ =	sdelay $0x3  }
0x92: {  	_ =	strace s18  }
0x93: {  	s3 =	sld [smem:$0x3FFC];
	_ =	sdelay $0x3  }
0x94: {  	_ =	strace s3  }
0x95: {  	s3 =	sld [smem:$0x3FFD];
	_ =	sdelay $0x3  }
0x96: {  	_ =	strace s3  }
0x97: {  	_ =	strace $0x8FFFFFFF  }
0x98: {  	s19 =	sld [smem:$0x3FDB];
	_ =	sdelay $0x1  }
0x99: {  	s4 =	simm.s32 $_scs_section_size  }
0x9a: {  	s5 =	simm.s32 $_size__tile_overlayer_lowered;
	s6 =	simm.s32 $_tile_overlayer_lowered  }
0x9b: {  	s22 =	simm.s32 $0x1BFF;
	s21 =	sshll.u32 s6, $0x1;
	s3 =	sadd.s32 s4, s19  }
0x9c: {  	s7 =	simm.s32 $0x0;
	s20 =	sshll.u32 s5, $0x1;
	s5 =	sadd.s32 s21, s3  }
0x9d: {  	[timem:s7], [sflag:s22] =	dma.local [hbm:s5], s20  }
0x9e: {  	_ =	swait.ge [sflag:s22], s20  }
0x9f: {  	s4 =	ssub.s32 $0x0, s20;
	[sflag:s22] =	ssyncset.done $0x0  }
0xa0: {  	[sflag:s22] =	ssyncadd.s32 s4;
	_ =	sdelay $0x1  }
0xa1: {  	s23 =	simm.s32 $0x1B8B  }
0xa2: {  	_ =	swait.ge [sflag:s23], $0x1  }
0xa3: {  	[sflag:s23] =	ssyncset.done $0x0  }
0xa4: {  	s25 =	simm.s32 $0x1B8E;
	s24 =	sld [smem:$0x3FFE];
	[sflag:s23] =	ssyncadd.s32 $0xFFFFFFFF  }
0xa5: {  	s26 =	simm.s32 $execute0_lowered;
	[smem:$0x3FD2] =	sst s25  }
0xa6: {  	s5 =	sshll.u32 s26, $0x1;
	_ =	strace $0x80000046;
	[dreg:$0x1] =	wrdreg $0xFFFFFFFF  }
0xa7: {  	s28 =	simm.s32 $_size_execute0_lowered;
	s3 =	sadd.s32 s3, s5;
	[dreg:$0x0] =	wrdreg $0x0  }
0xa8: {  	s5 =	sshll.u32 s28, $0x1;
	[dreg:$0x2] =	wrdreg s3  }
0xa9: {  	[dreg:$0x3] =	wrdreg s5  }
0xaa: {  	[dreg:$0x4] =	wrdreg $0xC0  }
0xab: {  	_ =	task [dreg:s7], $0x5FFFF  }
0xac: {  	[dreg:$0x1] =	wrdreg $0xFFFFFFFF  }
0xad: {  	[dreg:$0x0] =	wrdreg $0x60  }
0xae: {  	[dreg:$0x2] =	wrdreg s24  }
0xaf: {  	[dreg:$0x3] =	wrdreg s2  }
0xb0: {  	[dreg:$0x4] =	wrdreg $0x9  }
0xb1: {  	_ =	task.clear_ibuf [dreg:s7], $0x5FFFF;
	_ =	strace $0x90000046  }
0xb2: {  	s29 =	simm.s32 $0x9;
	_ =	strace $0x80000048  }
0xb3: {  	_ =	swait.ge [sflag:s29], $0x1  }
0xb4: {  	[sflag:s29] =	ssyncadd.s32 $0xFFFFFFFF  }
0xb5: {  	_ =	strace $0x90000048  }
0xb6: {  	_ =	sfence  }
0xb7: {  	s30 =	sld [smem:$0x0];
	_ =	sdelay $0x2  }
0xb8: {  	s31 =	sshll.u32 s1, $0xD;
	s1 =	sshrl.u32 s1, $0x2  }
0xb9: {  	s3 =	sand.u32 $0x4000, s31;
	s1 =	sadd.s32 s1, s30  }
0xba: {  	s0 =	sor.u32 s3, s0;
	s1 =	sshll.u32 s1, $0x11  }
0xbb: {  	s0 =	sor.u32 s1, s0  }
0xbc: {  	s0 =	sadd.s32 $0x8F2B, s0  }
0xbd: {  	[sflag:s0] =	ssyncadd.remote.s32 $0x1  }
0xbe: {  	_ =	sfence.sel $0xFFFF  }
0xbf: {  	[dreg:$0x0] =	wrdreg $0xFFFFFFFF;
	(pc) =	sbr.abs _section_cstart, $3  }
0xc0: {  	[dreg:$0x1] =	wrdreg $0xFFFFFFFF  }
0xc1: {  	_ =	task.clear_ibuf [dreg:s7], $0x2FFFF;
	_ =	strace $0x9FFFFFFF  }
0xc2: {  	(tm) =	ssettm $0x7FFFFFFF  }
0xc3: {  	_ =	shalt  }
tec
execute0_lowered:
.L_overlay_start_1:
0x0: {  	(tag) =	ssettag $0x1  }
0x1: {  	s1 =	srdreg.scid;
	s0 =	stileid.u32  }
0x2: {  	s1 =	sand.u32 $0x1, s1;
	s2 =	sshll.u32 s0, $0x1  }
0x3: {  	s3 =	sor.u32 s1, s2  }
0x4: {  	s6 =	smul.u32 $0x680, s3  }
0x5: {  	s4 =	rddreg [dreg:$0x0];
	s2 =	simm.s32 $0x0;
	s7 =	smul.u32 $0x68000, s3  }
0x6: {  	[smem:$0x7FF] =	sst s2;
	s3 =	smul.u32 $0xD000, s3  }
0x7: {  	s5 =	rddreg [dreg:$0x1];
	_ =	strace $0x80000047  }
0x8: {  	s6 =	sadd.s32 s6, s4;
	s7 =	sshrl.u32 s7, $0x3;
	s3 =	sadd.s32 s5, s3  }
0x9: {  	s6 =	sadd.s32 $0xA00, s6;
	s31 =	sadd.s32 s5, s7;
	[dreg:$0x4] =	wrdreg s3  }
0xa: {  	[dreg:$0x3] =	wrdreg s6;
	s22 =	sadd.s32 $0x1000, s31  }
0xb: {  	s23 =	sadd.s32 $0x2000, s31;
	[dreg:$0x5] =	wrdreg s22  }
0xc: {  	[dreg:$0x6] =	wrdreg s23  }
0xd: {  	s24 =	sadd.s32 $0x3000, s31;
	s25 =	rddreg [dreg:$0x3]  }
0xe: {  	s26 =	sadd.s32 $0x4000, s31;
	[dreg:$0x7] =	wrdreg s24  }
0xf: {  	s3 =	simm.s32 $0x5;
	[dreg:$0x8] =	wrdreg s26  }
0x10: {  	[tilespmem:s2], [sflag:$0x5] =	stream.linear.gather [hbm4b:s25+s2], $0x3400, $0x38;
	[tilespmem:$0x13400] =	vst v63  }
0x11: {  	_ =	swait.ge [sflag:s3], $0x3400  }
0x12: {  	s4 =	sadd.s32 $0xF42E00, s4;
	[sflag:s3] =	ssyncset.done $0x0  }
0x13: {  	s5 =	simm.s32 $0x400;
	s6 =	simm.s32 $0x3400;
	[sflag:s3] =	ssyncadd.s32 $0xFFFFCC00  }
0x14: {  	[tilespmem:s6], [sflag:$0x1] =	stream.indirect.gather [hbm4b:s4+s5], $0x20, s2, s5, $0xb8;
	[tilespmem:$0x13400] =	vst v63  }
0x15: {  	s8 =	simm.s32 $0x1;
	s7 =	simm.s32 $0xB400  }
0x16: {  	[tilespmem:s7], [sflag:$0x2] =	stream.indirect.gather [hbm4b:s4+s5], $0x20, s5, s5, $0xb8;
	[tilespmem:$0x13400] =	vst v63  }
0x17: {  	_ =	swait.ge [sflag:s8], $0x8000  }
0x18: {  	[sflag:s8] =	ssyncset.done $0x0  }
0x19: {  	s9 =	simm.s32 $0x3;
	s10 =	rddreg [dreg:$0x4];
	[sflag:s8] =	ssyncadd.s32 $0xFFFF8000  }
0x1a: {  	[hbm4b:s10+s2] =	stream.linear.scatter [tilespmem:s6], [sflag:$0x3], $0x8000, $0x38;
	[tilespmem:$0x13400] =	vst v63  }
0x1b: {  	_ =	swait.ge [sflag:s9], $0x8000  }
0x1c: {  	[sflag:s9] =	ssyncset.done $0x0  }
0x1d: {  	s11 =	simm.s32 $0x2;
	s10 =	simm.s32 $0x800;
	[sflag:s9] =	ssyncadd.s32 $0xFFFF8000  }
0x1e: {  	[tilespmem:s6], [sflag:$0x1] =	stream.indirect.gather [hbm4b:s4+s5], $0x20, s10, s5, $0xb8;
	[tilespmem:$0x13400] =	vst v63  }
0x1f: {  	_ =	swait.ge [sflag:s11], $0x8000  }
0x20: {  	[sflag:s11] =	ssyncset.done $0x0  }
0x21: {  	s12 =	simm.s32 $0x4;
	s13 =	rddreg [dreg:$0x5];
	[sflag:s11] =	ssyncadd.s32 $0xFFFF8000  }
0x22: {  	[hbm4b:s13+s2] =	stream.linear.scatter [tilespmem:s7], [sflag:$0x4], $0x8000, $0x38;
	[tilespmem:$0x13400] =	vst v63  }
0x23: {  	_ =	swait.ge [sflag:s12], $0x8000  }
0x24: {  	[sflag:s12] =	ssyncset.done $0x0  }
0x25: {  	s13 =	simm.s32 $0xC00;
	[sflag:s12] =	ssyncadd.s32 $0xFFFF8000  }
0x26: {  	[tilespmem:s7], [sflag:$0x2] =	stream.indirect.gather [hbm4b:s4+s5], $0x20, s13, s5, $0xb8;
	[tilespmem:$0x13400] =	vst v63  }
0x27: {  	_ =	swait.ge [sflag:s8], $0x8000  }
0x28: {  	[sflag:s8] =	ssyncset.done $0x0  }
0x29: {  	s14 =	rddreg [dreg:$0x6];
	[sflag:s8] =	ssyncadd.s32 $0xFFFF8000  }
0x2a: {  	[hbm4b:s14+s2] =	stream.linear.scatter [tilespmem:s6], [sflag:$0x3], $0x8000, $0x38;
	[tilespmem:$0x13400] =	vst v63  }
0x2b: {  	_ =	swait.ge [sflag:s9], $0x8000  }
0x2c: {  	[sflag:s9] =	ssyncset.done $0x0  }
0x2d: {  	s14 =	simm.s32 $0x1000;
	[sflag:s9] =	ssyncadd.s32 $0xFFFF8000  }
0x2e: {  	[tilespmem:s6], [sflag:$0x1] =	stream.indirect.gather [hbm4b:s4+s5], $0x20, s14, s5, $0xb8;
	[tilespmem:$0x13400] =	vst v63  }
0x2f: {  	_ =	swait.ge [sflag:s11], $0x8000  }
0x30: {  	[sflag:s11] =	ssyncset.done $0x0  }
0x31: {  	s15 =	rddreg [dreg:$0x7];
	[sflag:s11] =	ssyncadd.s32 $0xFFFF8000  }
0x32: {  	[hbm4b:s15+s2] =	stream.linear.scatter [tilespmem:s7], [sflag:$0x4], $0x8000, $0x38;
	[tilespmem:$0x13400] =	vst v63  }
0x33: {  	_ =	swait.ge [sflag:s12], $0x8000  }
0x34: {  	[sflag:s12] =	ssyncset.done $0x0  }
0x35: {  	s15 =	simm.s32 $0x1400;
	[sflag:s12] =	ssyncadd.s32 $0xFFFF8000  }
0x36: {  	[tilespmem:s7], [sflag:$0x2] =	stream.indirect.gather [hbm4b:s4+s5], $0x20, s15, s5, $0xb8;
	[tilespmem:$0x13400] =	vst v63  }
0x37: {  	_ =	swait.ge [sflag:s8], $0x8000  }
0x38: {  	[sflag:s8] =	ssyncset.done $0x0  }
0x39: {  	s16 =	rddreg [dreg:$0x8];
	[sflag:s8] =	ssyncadd.s32 $0xFFFF8000  }
0x3a: {  	[hbm4b:s16+s2] =	stream.linear.scatter [tilespmem:s6], [sflag:$0x3], $0x8000, $0x38;
	[tilespmem:$0x13400] =	vst v63  }
0x3b: {  	_ =	swait.ge [sflag:s9], $0x8000  }
0x3c: {  	[sflag:s9] =	ssyncset.done $0x0  }
0x3d: {  	s16 =	simm.s32 $0x1800;
	[sflag:s9] =	ssyncadd.s32 $0xFFFF8000  }
0x3e: {  	[tilespmem:s6], [sflag:$0x1] =	stream.indirect.gather [hbm4b:s4+s5], $0x20, s16, s5, $0xb8;
	[tilespmem:$0x13400] =	vst v63  }
0x3f: {  	_ =	swait.ge [sflag:s11], $0x8000  }
0x40: {  	[sflag:s11] =	ssyncset.done $0x0  }
0x41: {  	s17 =	sadd.s32 $0x5000, s31;
	[sflag:s11] =	ssyncadd.s32 $0xFFFF8000  }
0x42: {  	[hbm4b:s17+s2] =	stream.linear.scatter [tilespmem:s7], [sflag:$0x4], $0x8000, $0x38;
	[tilespmem:$0x13400] =	vst v63  }
0x43: {  	_ =	swait.ge [sflag:s12], $0x8000  }
0x44: {  	[sflag:s12] =	ssyncset.done $0x0  }
0x45: {  	s18 =	simm.s32 $0x1C00;
	[sflag:s12] =	ssyncadd.s32 $0xFFFF8000  }
0x46: {  	[tilespmem:s7], [sflag:$0x2] =	stream.indirect.gather [hbm4b:s4+s5], $0x20, s18, s5, $0xb8;
	[tilespmem:$0x13400] =	vst v63  }
0x47: {  	_ =	swait.ge [sflag:s8], $0x8000  }
0x48: {  	[sflag:s8] =	ssyncset.done $0x0  }
0x49: {  	s19 =	sadd.s32 $0x6000, s31;
	[sflag:s8] =	ssyncadd.s32 $0xFFFF8000  }
0x4a: {  	[hbm4b:s19+s2] =	stream.linear.scatter [tilespmem:s6], [sflag:$0x3], $0x8000, $0x38;
	[tilespmem:$0x13400] =	vst v63  }
0x4b: {  	_ =	swait.ge [sflag:s9], $0x8000  }
0x4c: {  	[sflag:s9] =	ssyncset.done $0x0  }
0x4d: {  	s20 =	simm.s32 $0x2000;
	[sflag:s9] =	ssyncadd.s32 $0xFFFF8000  }
0x4e: {  	[tilespmem:s6], [sflag:$0x1] =	stream.indirect.gather [hbm4b:s4+s5], $0x20, s20, s5, $0xb8;
	[tilespmem:$0x13400] =	vst v63  }
0x4f: {  	_ =	swait.ge [sflag:s11], $0x8000  }
0x50: {  	[sflag:s11] =	ssyncset.done $0x0  }
0x51: {  	s21 =	sadd.s32 $0x7000, s31;
	[sflag:s11] =	ssyncadd.s32 $0xFFFF8000  }
0x52: {  	[hbm4b:s21+s2] =	stream.linear.scatter [tilespmem:s7], [sflag:$0x4], $0x8000, $0x38;
	[tilespmem:$0x13400] =	vst v63  }
0x53: {  	_ =	swait.ge [sflag:s12], $0x8000  }
0x54: {  	[sflag:s12] =	ssyncset.done $0x0  }
0x55: {  	s22 =	simm.s32 $0x2400;
	[sflag:s12] =	ssyncadd.s32 $0xFFFF8000  }
0x56: {  	[tilespmem:s7], [sflag:$0x2] =	stream.indirect.gather [hbm4b:s4+s5], $0x20, s22, s5, $0xb8;
	[tilespmem:$0x13400] =	vst v63  }
0x57: {  	_ =	swait.ge [sflag:s8], $0x8000  }
0x58: {  	[sflag:s8] =	ssyncset.done $0x0  }
0x59: {  	s23 =	sadd.s32 $0x8000, s31;
	[sflag:s8] =	ssyncadd.s32 $0xFFFF8000  }
0x5a: {  	[hbm4b:s23+s2] =	stream.linear.scatter [tilespmem:s6], [sflag:$0x3], $0x8000, $0x38;
	[tilespmem:$0x13400] =	vst v63  }
0x5b: {  	_ =	swait.ge [sflag:s9], $0x8000  }
0x5c: {  	[sflag:s9] =	ssyncset.done $0x0  }
0x5d: {  	s24 =	simm.s32 $0x2800;
	[sflag:s9] =	ssyncadd.s32 $0xFFFF8000  }
0x5e: {  	[tilespmem:s6], [sflag:$0x1] =	stream.indirect.gather [hbm4b:s4+s5], $0x20, s24, s5, $0xb8;
	[tilespmem:$0x13400] =	vst v63  }
0x5f: {  	_ =	swait.ge [sflag:s11], $0x8000  }
0x60: {  	[sflag:s11] =	ssyncset.done $0x0  }
0x61: {  	s25 =	sadd.s32 $0x9000, s31;
	[sflag:s11] =	ssyncadd.s32 $0xFFFF8000  }
0x62: {  	[hbm4b:s25+s2] =	stream.linear.scatter [tilespmem:s7], [sflag:$0x4], $0x8000, $0x38;
	[tilespmem:$0x13400] =	vst v63  }
0x63: {  	_ =	swait.ge [sflag:s12], $0x8000  }
0x64: {  	[sflag:s12] =	ssyncset.done $0x0  }
0x65: {  	s26 =	simm.s32 $0x2C00;
	[sflag:s12] =	ssyncadd.s32 $0xFFFF8000  }
0x66: {  	[tilespmem:s7], [sflag:$0x2] =	stream.indirect.gather [hbm4b:s4+s5], $0x20, s26, s5, $0xb8;
	[tilespmem:$0x13400] =	vst v63  }
0x67: {  	_ =	swait.ge [sflag:s8], $0x8000  }
0x68: {  	[sflag:s8] =	ssyncset.done $0x0  }
0x69: {  	s28 =	sadd.s32 $0xA000, s31;
	[sflag:s8] =	ssyncadd.s32 $0xFFFF8000  }
0x6a: {  	[hbm4b:s28+s2] =	stream.linear.scatter [tilespmem:s6], [sflag:$0x3], $0x8000, $0x38;
	[tilespmem:$0x13400] =	vst v63  }
0x6b: {  	_ =	swait.ge [sflag:s9], $0x8000  }
0x6c: {  	[sflag:s9] =	ssyncset.done $0x0  }
0x6d: {  	s29 =	simm.s32 $0x3000;
	[sflag:s9] =	ssyncadd.s32 $0xFFFF8000  }
0x6e: {  	[tilespmem:s6], [sflag:$0x1] =	stream.indirect.gather [hbm4b:s4+s5], $0x20, s29, s5, $0xb8;
	[tilespmem:$0x13400] =	vst v63  }
0x6f: {  	_ =	swait.ge [sflag:s11], $0x8000  }
0x70: {  	s1 =	ssub.s32 $0x2, s1;
	[sflag:s11] =	ssyncset.done $0x0  }
0x71: {  	s0 =	sshrl.u32 s1, $0x1;
	s30 =	sadd.s32 $0xB000, s31;
	[sflag:s11] =	ssyncadd.s32 $0xFFFF8000  }
0x72: {  	[hbm4b:s30+s2] =	stream.linear.scatter [tilespmem:s7], [sflag:$0x4], $0x8000, $0x38;
	[tilespmem:$0x13400] =	vst v63  }
0x73: {  	s0 =	ssub.s32 s1, s0;
	_ =	swait.ge [sflag:s8], $0x8000  }
0x74: {  	s0 =	smax.u32 s0, $0x1;
	[sflag:s8] =	ssyncset.done $0x0  }
0x75: {  	p0 =	sne.s32 s0, $0x1;
	s31 =	sadd.s32 $0xC000, s31;
	[sflag:s8] =	ssyncadd.s32 $0xFFFF8000  }
0x76: {  	[hbm4b:s31+s2] =	stream.linear.scatter [tilespmem:s6], [sflag:$0x3], $0x8000, $0x38;
	[tilespmem:$0x13400] =	vst v63  }
.Ltmp0:
0x77: {  	_ =	swait.ge [sflag:s9], $0x8000;
	(pc) =	sbr.rel @!p0 .LBB2_2-.Ltmp0, $4  }
0x78: {  	[sflag:s9] =	ssyncset.done $0x0  }
0x79: {  	[sflag:s9] =	ssyncadd.s32 $0xFFFF8000  }
0x7a: {  	_ =	swait.ge [sflag:s12], $0x8000  }
0x7b: {  	s1 =	sadd.s32 $0xFFFFFFFF, s0;
	[sflag:s12] =	ssyncset.done $0x0  }
.LBB2_1:
0x7c: {  	s0 =	rddreg [dreg:$0x3];
	[sflag:s12] =	ssyncadd.s32 $0xFFFF8000  }
0x7d: {  	[tilespmem:s2], [sflag:$0x5] =	stream.linear.gather [hbm4b:s0+s2], $0x3400, $0x38;
	[tilespmem:$0x13400] =	vst v63  }
0x7e: {  	_ =	swait.ge [sflag:s3], $0x3400  }
0x7f: {  	[sflag:s3] =	ssyncset.done $0x0  }
0x80: {  	[sflag:s3] =	ssyncadd.s32 $0xFFFFCC00  }
0x81: {  	[tilespmem:s6], [sflag:$0x1] =	stream.indirect.gather [hbm4b:s4+s5], $0x20, s2, s5, $0xb8;
	[tilespmem:$0x13400] =	vst v63  }
0x82: {  	_ = 	snop  }
0x83: {  	[tilespmem:s7], [sflag:$0x2] =	stream.indirect.gather [hbm4b:s4+s5], $0x20, s5, s5, $0xb8;
	[tilespmem:$0x13400] =	vst v63  }
0x84: {  	_ =	swait.ge [sflag:s8], $0x8000  }
0x85: {  	[sflag:s8] =	ssyncset.done $0x0  }
0x86: {  	s0 =	rddreg [dreg:$0x4];
	[sflag:s8] =	ssyncadd.s32 $0xFFFF8000  }
0x87: {  	[hbm4b:s0+s2] =	stream.linear.scatter [tilespmem:s6], [sflag:$0x3], $0x8000, $0x38;
	[tilespmem:$0x13400] =	vst v63  }
0x88: {  	_ =	swait.ge [sflag:s9], $0x8000  }
0x89: {  	[sflag:s9] =	ssyncset.done $0x0  }
0x8a: {  	[sflag:s9] =	ssyncadd.s32 $0xFFFF8000  }
0x8b: {  	[tilespmem:s6], [sflag:$0x1] =	stream.indirect.gather [hbm4b:s4+s5], $0x20, s10, s5, $0xb8;
	[tilespmem:$0x13400] =	vst v63  }
0x8c: {  	_ =	swait.ge [sflag:s11], $0x8000  }
0x8d: {  	[sflag:s11] =	ssyncset.done $0x0  }
0x8e: {  	s0 =	rddreg [dreg:$0x5];
	[sflag:s11] =	ssyncadd.s32 $0xFFFF8000  }
0x8f: {  	[hbm4b:s0+s2] =	stream.linear.scatter [tilespmem:s7], [sflag:$0x4], $0x8000, $0x38;
	[tilespmem:$0x13400] =	vst v63  }
0x90: {  	_ =	swait.ge [sflag:s12], $0x8000  }
0x91: {  	[sflag:s12] =	ssyncset.done $0x0  }
0x92: {  	[sflag:s12] =	ssyncadd.s32 $0xFFFF8000  }
0x93: {  	[tilespmem:s7], [sflag:$0x2] =	stream.indirect.gather [hbm4b:s4+s5], $0x20, s13, s5, $0xb8;
	[tilespmem:$0x13400] =	vst v63  }
0x94: {  	_ =	swait.ge [sflag:s8], $0x8000  }
0x95: {  	[sflag:s8] =	ssyncset.done $0x0  }
0x96: {  	s0 =	rddreg [dreg:$0x6];
	[sflag:s8] =	ssyncadd.s32 $0xFFFF8000  }
0x97: {  	[hbm4b:s0+s2] =	stream.linear.scatter [tilespmem:s6], [sflag:$0x3], $0x8000, $0x38;
	[tilespmem:$0x13400] =	vst v63  }
0x98: {  	_ =	swait.ge [sflag:s9], $0x8000  }
0x99: {  	[sflag:s9] =	ssyncset.done $0x0  }
0x9a: {  	[sflag:s9] =	ssyncadd.s32 $0xFFFF8000  }
0x9b: {  	[tilespmem:s6], [sflag:$0x1] =	stream.indirect.gather [hbm4b:s4+s5], $0x20, s14, s5, $0xb8;
	[tilespmem:$0x13400] =	vst v63  }
0x9c: {  	_ =	swait.ge [sflag:s11], $0x8000  }
0x9d: {  	[sflag:s11] =	ssyncset.done $0x0  }
0x9e: {  	s0 =	rddreg [dreg:$0x7];
	[sflag:s11] =	ssyncadd.s32 $0xFFFF8000  }
0x9f: {  	[hbm4b:s0+s2] =	stream.linear.scatter [tilespmem:s7], [sflag:$0x4], $0x8000, $0x38;
	[tilespmem:$0x13400] =	vst v63  }
0xa0: {  	_ =	swait.ge [sflag:s12], $0x8000  }
0xa1: {  	[sflag:s12] =	ssyncset.done $0x0  }
0xa2: {  	[sflag:s12] =	ssyncadd.s32 $0xFFFF8000  }
0xa3: {  	[tilespmem:s7], [sflag:$0x2] =	stream.indirect.gather [hbm4b:s4+s5], $0x20, s15, s5, $0xb8;
	[tilespmem:$0x13400] =	vst v63  }
0xa4: {  	_ =	swait.ge [sflag:s8], $0x8000  }
0xa5: {  	[sflag:s8] =	ssyncset.done $0x0  }
0xa6: {  	s0 =	rddreg [dreg:$0x8];
	[sflag:s8] =	ssyncadd.s32 $0xFFFF8000  }
0xa7: {  	[hbm4b:s0+s2] =	stream.linear.scatter [tilespmem:s6], [sflag:$0x3], $0x8000, $0x38;
	[tilespmem:$0x13400] =	vst v63  }
0xa8: {  	_ =	swait.ge [sflag:s9], $0x8000  }
0xa9: {  	[sflag:s9] =	ssyncset.done $0x0  }
0xaa: {  	[sflag:s9] =	ssyncadd.s32 $0xFFFF8000  }
0xab: {  	[tilespmem:s6], [sflag:$0x1] =	stream.indirect.gather [hbm4b:s4+s5], $0x20, s16, s5, $0xb8;
	[tilespmem:$0x13400] =	vst v63  }
0xac: {  	_ =	swait.ge [sflag:s11], $0x8000  }
0xad: {  	[sflag:s11] =	ssyncset.done $0x0  }
0xae: {  	[sflag:s11] =	ssyncadd.s32 $0xFFFF8000  }
0xaf: {  	[hbm4b:s17+s2] =	stream.linear.scatter [tilespmem:s7], [sflag:$0x4], $0x8000, $0x38;
	[tilespmem:$0x13400] =	vst v63  }
0xb0: {  	_ =	swait.ge [sflag:s12], $0x8000  }
0xb1: {  	[sflag:s12] =	ssyncset.done $0x0  }
0xb2: {  	[sflag:s12] =	ssyncadd.s32 $0xFFFF8000  }
0xb3: {  	[tilespmem:s7], [sflag:$0x2] =	stream.indirect.gather [hbm4b:s4+s5], $0x20, s18, s5, $0xb8;
	[tilespmem:$0x13400] =	vst v63  }
0xb4: {  	_ =	swait.ge [sflag:s8], $0x8000  }
0xb5: {  	[sflag:s8] =	ssyncset.done $0x0  }
0xb6: {  	[sflag:s8] =	ssyncadd.s32 $0xFFFF8000  }
0xb7: {  	[hbm4b:s19+s2] =	stream.linear.scatter [tilespmem:s6], [sflag:$0x3], $0x8000, $0x38;
	[tilespmem:$0x13400] =	vst v63  }
0xb8: {  	_ =	swait.ge [sflag:s9], $0x8000  }
0xb9: {  	[sflag:s9] =	ssyncset.done $0x0  }
0xba: {  	[sflag:s9] =	ssyncadd.s32 $0xFFFF8000  }
0xbb: {  	[tilespmem:s6], [sflag:$0x1] =	stream.indirect.gather [hbm4b:s4+s5], $0x20, s20, s5, $0xb8;
	[tilespmem:$0x13400] =	vst v63  }
0xbc: {  	_ =	swait.ge [sflag:s11], $0x8000  }
0xbd: {  	[sflag:s11] =	ssyncset.done $0x0  }
0xbe: {  	[sflag:s11] =	ssyncadd.s32 $0xFFFF8000  }
0xbf: {  	[hbm4b:s21+s2] =	stream.linear.scatter [tilespmem:s7], [sflag:$0x4], $0x8000, $0x38;
	[tilespmem:$0x13400] =	vst v63  }
0xc0: {  	_ =	swait.ge [sflag:s12], $0x8000  }
0xc1: {  	[sflag:s12] =	ssyncset.done $0x0  }
0xc2: {  	[sflag:s12] =	ssyncadd.s32 $0xFFFF8000  }
0xc3: {  	[tilespmem:s7], [sflag:$0x2] =	stream.indirect.gather [hbm4b:s4+s5], $0x20, s22, s5, $0xb8;
	[tilespmem:$0x13400] =	vst v63  }
0xc4: {  	_ =	swait.ge [sflag:s8], $0x8000  }
0xc5: {  	[sflag:s8] =	ssyncset.done $0x0  }
0xc6: {  	[sflag:s8] =	ssyncadd.s32 $0xFFFF8000  }
0xc7: {  	[hbm4b:s23+s2] =	stream.linear.scatter [tilespmem:s6], [sflag:$0x3], $0x8000, $0x38;
	[tilespmem:$0x13400] =	vst v63  }
0xc8: {  	_ =	swait.ge [sflag:s9], $0x8000  }
0xc9: {  	[sflag:s9] =	ssyncset.done $0x0  }
0xca: {  	[sflag:s9] =	ssyncadd.s32 $0xFFFF8000  }
0xcb: {  	[tilespmem:s6], [sflag:$0x1] =	stream.indirect.gather [hbm4b:s4+s5], $0x20, s24, s5, $0xb8;
	[tilespmem:$0x13400] =	vst v63  }
0xcc: {  	_ =	swait.ge [sflag:s11], $0x8000  }
0xcd: {  	[sflag:s11] =	ssyncset.done $0x0  }
0xce: {  	[sflag:s11] =	ssyncadd.s32 $0xFFFF8000  }
0xcf: {  	[hbm4b:s25+s2] =	stream.linear.scatter [tilespmem:s7], [sflag:$0x4], $0x8000, $0x38;
	[tilespmem:$0x13400] =	vst v63  }
0xd0: {  	_ =	swait.ge [sflag:s12], $0x8000  }
0xd1: {  	[sflag:s12] =	ssyncset.done $0x0  }
0xd2: {  	[sflag:s12] =	ssyncadd.s32 $0xFFFF8000  }
0xd3: {  	[tilespmem:s7], [sflag:$0x2] =	stream.indirect.gather [hbm4b:s4+s5], $0x20, s26, s5, $0xb8;
	[tilespmem:$0x13400] =	vst v63  }
0xd4: {  	_ =	swait.ge [sflag:s8], $0x8000  }
0xd5: {  	[sflag:s8] =	ssyncset.done $0x0  }
0xd6: {  	[sflag:s8] =	ssyncadd.s32 $0xFFFF8000  }
0xd7: {  	[hbm4b:s28+s2] =	stream.linear.scatter [tilespmem:s6], [sflag:$0x3], $0x8000, $0x38;
	[tilespmem:$0x13400] =	vst v63  }
0xd8: {  	_ =	swait.ge [sflag:s9], $0x8000  }
0xd9: {  	[sflag:s9] =	ssyncset.done $0x0  }
0xda: {  	[sflag:s9] =	ssyncadd.s32 $0xFFFF8000  }
0xdb: {  	[tilespmem:s6], [sflag:$0x1] =	stream.indirect.gather [hbm4b:s4+s5], $0x20, s29, s5, $0xb8;
	[tilespmem:$0x13400] =	vst v63  }
0xdc: {  	_ =	swait.ge [sflag:s11], $0x8000  }
0xdd: {  	[sflag:s11] =	ssyncset.done $0x0  }
0xde: {  	[sflag:s11] =	ssyncadd.s32 $0xFFFF8000  }
0xdf: {  	[hbm4b:s30+s2] =	stream.linear.scatter [tilespmem:s7], [sflag:$0x4], $0x8000, $0x38;
	[tilespmem:$0x13400] =	vst v63  }
0xe0: {  	_ =	swait.ge [sflag:s8], $0x8000  }
0xe1: {  	[sflag:s8] =	ssyncset.done $0x0  }
0xe2: {  	p0 =	sne.s32 s1, $0x1;
	[sflag:s8] =	ssyncadd.s32 $0xFFFF8000  }
0xe3: {  	[hbm4b:s31+s2] =	stream.linear.scatter [tilespmem:s6], [sflag:$0x3], $0x8000, $0x38;
	[tilespmem:$0x13400] =	vst v63  }
.Ltmp1:
0xe4: {  	_ =	swait.ge [sflag:s9], $0x8000;
	(pc) =	sbr.rel @p0 .LBB2_1-.Ltmp1, $4  }
0xe5: {  	[sflag:s9] =	ssyncset.done $0x0  }
0xe6: {  	[sflag:s9] =	ssyncadd.s32 $0xFFFF8000  }
0xe7: {  	_ =	swait.ge [sflag:s12], $0x8000  }
0xe8: {  	s1 =	sadd.s32 $0xFFFFFFFF, s1;
	[sflag:s12] =	ssyncset.done $0x0  }
.LBB2_2:
0xe9: {  	[sflag:s12] =	ssyncadd.s32 $0xFFFF8000  }
0xea: {  	_ =	sfence.sel $0x180000  }
0xeb: {  	[bflag:$0x0] =	sbarrier.arrive $0xFFFF  }
0xec: {  	_ =	strace $0x90000047  }
0xed: {  	s0 =	stileid.u32;
	[bflag:$0x2] =	sbarrier.arrive $0xFFFF  }
0xee: {  	p0 =	sne.s32 s0, $0x0;
	s0 =	rddreg [dreg:$0x2]  }
0xef: {  	s0 =	sadd.s32 @!p0 $0x100000, s0  }
0xf0: {  	[sflag:s0] =	ssyncadd.tile.s32 @!p0 $0x1;
	_ =	shalt  }
.Lfunc_end2:
_tile_overlayer_lowered:
.L_overlay_start_2:
0xf1: {  	(tag) =	ssettag $0x2  }
0xf2: {  	s0 =	rddreg [dreg:$0x0];
	s2 =	stileid.u32  }
0xf3: {  	s1 =	rddreg [dreg:$0x1];
	p0 =	sne.s32 s2, $0x0  }
0xf4: {  	s3 =	rddreg [dreg:$0x2];
	[bflag:$0x3] =	sbarrier.arrive $0xFFFF;
	s2 =	simm.s32 @!p0 $0x1C05  }
0xf5: {  	[timem:s3], [sflag:s2] =	dma.local @!p0 [hbm:s0], s1  }
0xf6: {  	s0 =	simm.s32 @!p0 $0x5  }
0xf7: {  	_ =	swait.ge @!p0 [sflag:s0], s1  }
0xf8: {  	s1 =	ssub.s32 @!p0 $0x0, s1;
	[sflag:s0] =	ssyncset.done @!p0 $0x0  }
0xf9: {  	[sflag:s0] =	ssyncadd.s32 @!p0 s1  }
0xfa: {  	[bflag:$0x3] =	sbarrier.arrive $0xFFFF  }
0xfb: {  	_ =	shalt  }

// kernel: sparse-core-data-format-call.cloned.1.call-start
scs
called_computation_lowered:
.L_overlay_start_0:
0x0: {  	s2 =	sld [smem:$0x3FD9]  }
0x1: {  	s3 =	sld [smem:$0x3FFE];
	_ =	sdelay $0x1  }
0x2: {  	s1 =	srdreg.scid  }
0x3: {  	s0 =	sand.u32 $0x1, s1  }
0x4: {  	s18 =	sshll.u32 s0, $0xA;
	s2 =	sadd.s32 s3, s2  }
0x5: {  	s2 =	sadd.s32 s2, s18  }
0x6: {  	[smem:$0x3FC6] =	sst s2  }
0x7: {  	_ = 	snop  }
0x8: {  	s2 =	sld [smem:$0x3FD0];
	(tm) =	ssettm $0x1  }
0x9: {  	s19 =	sld [smem:$0x3FFB];
	_ =	sdelay $0x3  }
0xa: {  	_ =	strace s19  }
0xb: {  	s3 =	sld [smem:$0x3FFC];
	_ =	sdelay $0x3  }
0xc: {  	_ =	strace s3  }
0xd: {  	s3 =	sld [smem:$0x3FFD];
	_ =	sdelay $0x3  }
0xe: {  	_ =	strace s3  }
0xf: {  	_ =	strace $0x8FFFFFFF  }
0x10: {  	s20 =	sld [smem:$0x3FDB];
	_ =	sdelay $0x1  }
0x11: {  	s4 =	simm.s32 $_scs_section_size  }
0x12: {  	s5 =	simm.s32 $_size__tile_overlayer_lowered;
	s6 =	simm.s32 $_tile_overlayer_lowered  }
0x13: {  	s23 =	simm.s32 $0x1BFF;
	s22 =	sshll.u32 s6, $0x1;
	s3 =	sadd.s32 s4, s20  }
0x14: {  	s7 =	simm.s32 $0x0;
	s21 =	sshll.u32 s5, $0x1;
	s5 =	sadd.s32 s22, s3  }
0x15: {  	[timem:s7], [sflag:s23] =	dma.local [hbm:s5], s21  }
0x16: {  	_ =	swait.ge [sflag:s23], s21  }
0x17: {  	s4 =	ssub.s32 $0x0, s21;
	[sflag:s23] =	ssyncset.done $0x0  }
0x18: {  	[sflag:s23] =	ssyncadd.s32 s4;
	_ =	sdelay $0x1  }
0x19: {  	s24 =	simm.s32 $0x1B8B  }
0x1a: {  	_ =	swait.ge [sflag:s24], $0x1  }
0x1b: {  	[sflag:s24] =	ssyncset.done $0x0  }
0x1c: {  	s26 =	simm.s32 $0x1B8E;
	s25 =	sld [smem:$0x3FFE];
	[sflag:s24] =	ssyncadd.s32 $0xFFFFFFFF  }
0x1d: {  	s27 =	simm.s32 $execute0_lowered;
	[smem:$0x3FD2] =	sst s26  }
0x1e: {  	s5 =	sshll.u32 s27, $0x1;
	_ =	strace $0x80000049;
	[dreg:$0x1] =	wrdreg $0xFFFFFFFF  }
0x1f: {  	s28 =	simm.s32 $_size_execute0_lowered;
	s3 =	sadd.s32 s3, s5;
	[dreg:$0x0] =	wrdreg $0x0  }
0x20: {  	s5 =	sshll.u32 s28, $0x1;
	[dreg:$0x2] =	wrdreg s3  }
0x21: {  	[dreg:$0x3] =	wrdreg s5  }
0x22: {  	[dreg:$0x4] =	wrdreg $0xC0  }
0x23: {  	_ =	task [dreg:s7], $0x5FFFF  }
0x24: {  	[dreg:$0x1] =	wrdreg $0xFFFFFFFF  }
0x25: {  	[dreg:$0x0] =	wrdreg $0x60  }
0x26: {  	[dreg:$0x2] =	wrdreg s25  }
0x27: {  	[dreg:$0x3] =	wrdreg s2  }
0x28: {  	[dreg:$0x4] =	wrdreg $0x9  }
0x29: {  	_ =	task.clear_ibuf [dreg:s7], $0x5FFFF;
	_ =	strace $0x90000049  }
0x2a: {  	s29 =	simm.s32 $0x9;
	_ =	strace $0x8000004B  }
0x2b: {  	_ =	swait.ge [sflag:s29], $0x1  }
0x2c: {  	[sflag:s29] =	ssyncadd.s32 $0xFFFFFFFF  }
0x2d: {  	_ =	strace $0x9000004B  }
0x2e: {  	_ =	sfence  }
0x2f: {  	s30 =	sld [smem:$0x0];
	_ =	sdelay $0x2  }
0x30: {  	s31 =	sshll.u32 s1, $0xD;
	s1 =	sshrl.u32 s1, $0x2  }
0x31: {  	s3 =	sand.u32 $0x4000, s31;
	s1 =	sadd.s32 s1, s30  }
0x32: {  	s0 =	sor.u32 s3, s0;
	s1 =	sshll.u32 s1, $0x11  }
0x33: {  	s0 =	sor.u32 s1, s0  }
0x34: {  	s0 =	sadd.s32 $0x8F2B, s0  }
0x35: {  	[sflag:s0] =	ssyncadd.remote.s32 $0x1  }
0x36: {  	_ =	sfence.sel $0xFFFF  }
0x37: {  	[dreg:$0x0] =	wrdreg $0xFFFFFFFF;
	(pc) =	sbr.abs _section_cstart, $3  }
0x38: {  	[dreg:$0x1] =	wrdreg $0xFFFFFFFF  }
0x39: {  	_ =	task.clear_ibuf [dreg:s7], $0x2FFFF;
	_ =	strace $0x9FFFFFFF  }
0x3a: {  	(tm) =	ssettm $0x7FFFFFFF  }
0x3b: {  	_ =	shalt  }
tec
execute0_lowered:
.L_overlay_start_1:
0x0: {  	(tag) =	ssettag $0x1  }
0x1: {  	s0 =	srdreg.scid  }
0x2: {  	s1 =	sshll.u32 s0, $0x4  }
0x3: {  	s0 =	stileid.u32;
	s1 =	sand.u32 $0x10, s1  }
0x4: {  	s1 =	sor.u32 s0, s1  }
0x5: {  	s6 =	rddreg [dreg:$0x0];
	s4 =	simm.s32 $0x1;
	s2 =	sshll.u32 s1, $0x7  }
0x6: {  	s7 =	simm.s32 $0x2;
	s12 =	simm.s32 $0x0;
	s1 =	ssub.s32 $0x4000, s2  }
0x7: {  	s8 =	simm.s32 $0x20000;
	s13 =	simm.s32 $0x0;
	s3 =	sand.u32 $0xF80, s1  }
0x8: {  	s9 =	simm.s32 $0x0;
	s5 =	sshrl.u32 s1, $0xC;
	p0 =	sne.s32 s3, $0x0  }
.Ltmp0:
0x9: {  	s1 =	rddreg [dreg:$0x2];
	s4 =	simm.s32 @!p0 $0x0;
	(pc) =	sbr.rel .LBB1_1-.Ltmp0, $4  }
0xa: {  	s11 =	simm.s32 $0x0;
	s3 =	rddreg [dreg:$0x1];
	s5 =	sadd.s32 s4, s5  }
0xb: {  	_ =	strace $0x8000004A;
	s4 =	simm.s32 $0x1;
	s5 =	smul.u32 $0x1A, s5  }
0xc: {  	s6 =	sadd.s32 $0xA00, s6;
	s10 =	smov.u32 s2;
	[sflag:s4] =	ssyncpa.u1 $0x0  }
0xd: {  	p0 =	por $0x0, $0x0;
	[sflag:s7] =	ssyncpa.u1 $0x0;
	s7 =	sor.u32 $0x1, s5  }
.LBB1_4:
0xe: {  	s16 =	sshll.u32 s13, $0x3;
	s17 =	sand.u32 $0x78, s13  }
0xf: {  	s30 =	sand.u32 $0xF800, s13;
	s12 =	sshll.u32 s12, $0x10;
	s16 =	sand.u32 $0x3C00, s16  }
0x10: {  	s31 =	sand.u32 $0x7, s13;
	s16 =	sor.u32 s17, s16;
	s17 =	sadd.s32 s3, s30  }
0x11: {  	s13 =	sshll.u32 s31, $0x12;
	s16 =	sshrl.u32 s16, $0x3;
	s12 =	sadd.s32 s12, s17  }
0x12: {  	[tilespmem:s15+$0x0 ss:$0x81] =	vst.msk $0xffff, v0;
	s13 =	sor.u32 $0x400, s13;
	s12 =	sadd.s32 s16, s12  }
0x13: {  	[hbm4b:s12+s13] =	stream.strided.scatter [tilespmem:s14], [sflag:$0x2], $0x1000, s8, s13, $0x20;
	[tilespmem:$0x4040] =	vst v63  }
.LBB1_5:
0x14: {  	s14 =	sadd.s32 $0x1, s9  }
0x15: {  	s12 =	sadd.s32 $0x1000, s10;
	s16 =	smov.u32 s10;
	p2 =	sgt.s32 s14, $0x19  }
0x16: {  	s16 =	smov.u32 @p2 s12  }
0x17: {  	s14 =	simm.s32 @p2 $0x0;
	p2 =	sgt.s32 s16, $0x3FFF  }
0x18: {  	s16 =	smov.u32 @p2 s2;
	p2 =	sne.s32 s11, s7  }
.Ltmp1:
0x19: {  	p1 =	slt.u32 s11, $0x2;
	(pc) =	sbr.rel @!p2 .LBB1_6-.Ltmp1, $4  }
0x1a: {  	s15 =	simm.s32 @!p1 $0x2  }
0x1b: {  	s13 =	smov.u32 s10;
	p0 =	por !p0, !p0;
	_ =	swait.ge @!p1 [sflag:s15], $0x1000  }
0x1c: {  	s12 =	smov.u32 s9;
	[sflag:s15] =	ssyncset.done @!p1 $0x0;
	s9 =	smov.u32 s14  }
0x1d: {  	s11 =	sadd.s32 $0x1, s11;
	[sflag:s15] =	ssyncadd.s32 @!p1 $0xFFFFF000;
	s10 =	smov.u32 s16  }
.LBB1_1:
0x1e: {  	p1 =	sge.u32 s11, s5  }
0x1f: {  	s31 =	sadd.s32 $0xFFFFFFFF, s11;
	s14 =	sxor.u32 @!p1 $0xFFFFFFFF, s11  }
0x20: {  	s15 =	sshll.u32 @!p1 s10, $0x9;
	s16 =	sshll.u32 @!p1 s9, $0x4;
	s17 =	simm.s32 @!p1 $0x1000  }
0x21: {  	s14 =	sshll.u32 @!p1 s14, $0xC;
	s16 =	sand.u32 @!p1 $0x1F0, s16;
	s15 =	sadd.s32 @!p1 s6, s15  }
0x22: {  	s14 =	sand.u32 @!p1 $0x1000, s14;
	s15 =	sadd.s32 @!p1 s16, s15;
	s16 =	simm.s32 @!p1 $0x20  }
0x23: {  	[tilespmem:s14], [sflag:$0x1] =	stream.strided.gather @!p1 [hbm4b:s15+s16], $0x1000, s17, s16, $0x38;
	[tilespmem:$0x4040] =	vst v63  }
0x24: {  	p1 =	sge.u32 s31, s5  }
.Ltmp2:
0x25: {  	_ = 	snop;
	(pc) =	sbr.rel @p1 .LBB1_5-.Ltmp2, $1  }
0x26: {  	_ =	sdelay $0x3  }
0x27: {  	s14 =	simm.s32 $0x1  }
0x28: {  	_ =	swait.ge [sflag:s4], $0x1000;
	s14 =	simm.s32 @!p0 $0x0  }
0x29: {  	[sflag:s4] =	ssyncset.done $0x0;
	s15 =	sshll.u32 s14, $0xC  }
0x2a: {  	[sflag:s4] =	ssyncadd.s32 $0xFFFFF000;
	s18 =	sor.u32 $0x10, s15  }
0x2b: {  	s14 =	smul.u32 $0x4080, s14;
	v1 =	vld [tilespmem:s18+$0x0]  }
0x2c: {  	s30 =	sand.u32 $0x1, s11;
	v0 =	vld [tilespmem:s18+$0xFFFFFFF0]  }
0x2d: {  	s15 =	smul.u32 $0x4080, s30;
	s14 =	sshrl.u32 s14, $0x2  }
0x2e: {  	s16 =	sor.u32 $0x2000, s14  }
0x2f: {  	s31 =	sshrl.u32 s15, $0x2;
	s15 =	sadd.s32 $0x0, s16  }
0x30: {  	s17 =	simm.s32 $0x4;
	s18 =	sadd.s32 $0x20, s18;
	s14 =	sor.u32 $0x2000, s31;
	[tilespmem:s15+$0x810 ss:$0x81] =	vst.msk $0xffff, v1  }
.LBB1_3:
0x31: {  	v1 =	vld [tilespmem:s18+$0x0];
	p1 =	sne.s32 s17, $0x1FC;
	[tilespmem:s15+$0x0 ss:$0x81] =	vst.msk $0xffff, v0;
	s15 =	smov.u32 s17;
	s17 =	sadd.s32 $0x4, s17  }
.Ltmp3:
0x32: {  	v0 =	vld [tilespmem:s18+$0xFFFFFFF0];
	(pc) =	sbr.rel @p1 .LBB1_3-.Ltmp3, $4  }
0x33: {  	_ = 	snop  }
0x34: {  	s15 =	sshra.s32 s15, $0x2  }
0x35: {  	s15 =	sadd.s32 s15, s16  }
0x36: {  	s18 =	sadd.s32 $0x20, s18;
	[tilespmem:s15+$0x810 ss:$0x81] =	vst.msk $0xffff, v1  }
.Ltmp4:
0x37: {  	_ = 	snop;
	(pc) =	sbr.rel .LBB1_4-.Ltmp4, $1  }
0x38: {  	_ =	sdelay $0x3  }
.LBB1_6:
0x39: {  	_ =	sfence.sel $0x180000  }
0x3a: {  	s2 =	simm.s32 $0x1;
	[bflag:$0x0] =	sbarrier.arrive $0xFFFF  }
0x3b: {  	s31 =	simm.s32 $0x2;
	[sflag:s2] =	ssyncpa.u1 $0x1  }
0x3c: {  	[sflag:s31] =	ssyncpa.u1 $0x1  }
0x3d: {  	p0 =	sne.s32 s0, $0x0;
	_ =	strace $0x9000004A  }
0x3e: {  	s0 =	sadd.s32 @!p0 $0x100000, s1;
	[bflag:$0x2] =	sbarrier.arrive $0xFFFF  }
0x3f: {  	[sflag:s0] =	ssyncadd.tile.s32 @!p0 $0x1;
	_ =	shalt  }
.Lfunc_end1:
_tile_overlayer_lowered:
.L_overlay_start_2:
0x40: {  	(tag) =	ssettag $0x2  }
0x41: {  	s0 =	rddreg [dreg:$0x0];
	s2 =	stileid.u32  }
0x42: {  	s1 =	rddreg [dreg:$0x1];
	p0 =	sne.s32 s2, $0x0  }
0x43: {  	s3 =	rddreg [dreg:$0x2];
	[bflag:$0x3] =	sbarrier.arrive $0xFFFF;
	s2 =	simm.s32 @!p0 $0x1C01  }
0x44: {  	[timem:s3], [sflag:s2] =	dma.local @!p0 [hbm:s0], s1  }
0x45: {  	s0 =	simm.s32 @!p0 $0x1  }
0x46: {  	_ =	swait.ge @!p0 [sflag:s0], s1  }
0x47: {  	s1 =	ssub.s32 @!p0 $0x0, s1;
	[sflag:s0] =	ssyncset.done @!p0 $0x0  }
0x48: {  	[sflag:s0] =	ssyncadd.s32 @!p0 s1  }
0x49: {  	[bflag:$0x3] =	sbarrier.arrive $0xFFFF  }
0x4a: {  	_ =	shalt  }

</sc_bundles>
